<compile_context>
chip_gen: v7x
topology: tpu7x:2x2x1
jax: 0.10.2.dev20260603
libtpu: 0.0.44.dev20260713+nightly
codegen_flags: <defaults>
</compile_context>

<pallas_src>
import functools

import jax
import jax.numpy as jnp
from jax import lax
from jax.experimental import pallas as pl
from jax.experimental.pallas import tpu as pltpu
from jax.experimental.pallas import tpu_sc as plsc

f32 = jnp.float32

NU = 10000
C = 128
R = 10240
E = 320000
CHUNK = 128
NTS = 16
EP = 323584
TILE_E = EP // NTS
N_CHUNKS = TILE_E // CHUNK
STRIPE = R // NTS
PEC = 128
BR = 2000
GRID = NU // BR

_mesh = plsc.VectorSubcoreMesh(core_axis_name="c", subcore_axis_name="s")


def _sc_prep(rev_u, rev_i, pe, e_u2i, e_i2u, z128, one128):

    @functools.partial(
        pl.kernel,
        out_type=(
            jax.ShapeDtypeStruct((R, PEC), f32),
            jax.ShapeDtypeStruct((R, PEC), f32),
            jax.ShapeDtypeStruct((R, C), f32),
            jax.ShapeDtypeStruct((R, C), f32),
        ),
        mesh=_mesh,
        scratch_types=[
            pltpu.VMEM((CHUNK,), jnp.int32),
            pltpu.VMEM((CHUNK,), jnp.int32),
            pltpu.VMEM((CHUNK, PEC), f32),
            pltpu.VMEM((CHUNK, C), f32),
            pltpu.VMEM_SHARED((R, C), f32),
            pltpu.SemaphoreType.DMA,
        ],
    )
    def k(rev_u_ref, rev_i_ref, pe_ref, eu_ref, ei_ref, z_ref, one_ref,
          peu_out, pei_out, cu_out, ci_out,
          gidx, sidx, rows, ones_v, acc, sem):
        cid = lax.axis_index("c")
        sid = lax.axis_index("s")
        stripe = sid * STRIPE
        pltpu.sync_copy(z_ref, acc.at[pl.ds(stripe, STRIPE)])
        pltpu.sync_copy(one_ref, ones_v)
        plsc.subcore_barrier()

        def work(rev_ref, e_ref, pe_out, c_out):
            def pechunk(j, carry):
                base = stripe + j * CHUNK
                pltpu.sync_copy(rev_ref.at[pl.ds(base, CHUNK)], gidx)
                pltpu.async_copy(pe_ref.at[gidx], rows, sem).wait()
                pltpu.sync_copy(rows, pe_out.at[pl.ds(base, CHUNK)])
                return carry

            lax.fori_loop(0, STRIPE // CHUNK, pechunk, 0)

            tbase = sid * TILE_E

            def cchunk(j, carry):
                base = tbase + j * CHUNK
                pltpu.sync_copy(e_ref.at[1, pl.ds(base, CHUNK)], sidx)
                pltpu.sync_copy(ones_v, acc.at[sidx], add=True)
                return carry

            lax.fori_loop(0, N_CHUNKS, cchunk, 0)
            plsc.subcore_barrier()
            pltpu.sync_copy(acc.at[pl.ds(stripe, STRIPE)],
                            c_out.at[pl.ds(stripe, STRIPE)])

        @pl.when(cid == 0)
        def _():
            work(rev_u_ref, eu_ref, peu_out, cu_out)

        @pl.when(cid == 1)
        def _():
            work(rev_i_ref, ei_ref, pei_out, ci_out)

    return k(rev_u, rev_i, pe, e_u2i, e_i2u, z128, one128)


def _sc_segsum(h_u, h_i, e_u2i, e_i2u, z128):

    @functools.partial(
        pl.kernel,
        out_type=(
            jax.ShapeDtypeStruct((R, C), f32),
            jax.ShapeDtypeStruct((R, C), f32),
        ),
        mesh=_mesh,
        scratch_types=[
            pltpu.VMEM((2, CHUNK), jnp.int32),
            pltpu.VMEM((CHUNK, C), f32),
            pltpu.VMEM_SHARED((R, C), f32),
            pltpu.SemaphoreType.DMA,
        ],
    )
    def k(hu_ref, hi_ref, eu_ref, ei_ref, z_ref, si_out, su_out,
          eidx, rows, acc, sem):
        cid = lax.axis_index("c")
        sid = lax.axis_index("s")
        stripe = sid * STRIPE
        pltpu.sync_copy(z_ref, acc.at[pl.ds(stripe, STRIPE)])
        plsc.subcore_barrier()

        def work(h_ref, e_ref, s_out):
            tbase = sid * TILE_E

            def chunk(j, carry):
                base = tbase + j * CHUNK
                pltpu.sync_copy(e_ref.at[:, pl.ds(base, CHUNK)], eidx)
                pltpu.async_copy(h_ref.at[eidx.at[0]], rows, sem).wait()
                pltpu.sync_copy(rows, acc.at[eidx.at[1]], add=True)
                return carry

            lax.fori_loop(0, N_CHUNKS, chunk, 0)
            plsc.subcore_barrier()
            pltpu.sync_copy(acc.at[pl.ds(stripe, STRIPE)],
                            s_out.at[pl.ds(stripe, STRIPE)])

        @pl.when(cid == 0)
        def _():
            work(hu_ref, eu_ref, si_out)

        @pl.when(cid == 1)
        def _():
            work(hi_ref, ei_ref, su_out)

    return k(h_u, h_i, e_u2i, e_i2u, z128)


def _tc_prep(peu, pei, wpe, bpe, xu, xi):

    def body(peu_ref, pei_ref, wpe_ref, bpe_ref, xu_ref, xi_ref,
             pu_ref, pi_ref, hu_ref, hi_ref):
        w = wpe_ref[...]
        b = bpe_ref[...]
        pu = jnp.maximum(jnp.dot(peu_ref[...], w, preferred_element_type=f32) + b, 0.0)
        pi = jnp.maximum(jnp.dot(pei_ref[...], w, preferred_element_type=f32) + b, 0.0)
        pu_ref[...] = pu
        pi_ref[...] = pi
        hu_ref[...] = xu_ref[...] + pu
        hi_ref[...] = xi_ref[...] + pi

    row = lambda i: (i, 0)
    full = lambda i: (0, 0)
    return pl.pallas_call(
        body,
        grid=(GRID,),
        in_specs=[
            pl.BlockSpec((BR, PEC), row),
            pl.BlockSpec((BR, PEC), row),
            pl.BlockSpec((PEC, C), full),
            pl.BlockSpec((1, C), full),
            pl.BlockSpec((BR, C), row),
            pl.BlockSpec((BR, C), row),
        ],
        out_specs=[pl.BlockSpec((BR, C), row)] * 4,
        out_shape=[jax.ShapeDtypeStruct((NU, C), f32)] * 4,
    )(peu, pei, wpe, bpe, xu, xi)


def _tc_layer(si, su, deg_i, deg_u, hu, hi, pu, pi, params, add_pe):
    (wl_u2i, wr_u2i, bb_u2i, wl_i2u, wr_i2u, bb_i2u,
     g_u, b_u, g_i, b_i) = params

    def body(si_ref, su_ref, di_ref, du_ref, hu_ref, hi_ref, pu_ref, pi_ref,
             wlu_ref, wru_ref, bbu_ref, wli_ref, wri_ref, bbi_ref,
             gu_ref, bu_ref, gi_ref, bi_ref,
             ou_ref, oi_ref):
        def side(s_ref, d_ref, hd_ref, wl_ref, wr_ref, bb_ref,
                 g_ref, b_ref, p_ref, o_ref):
            cnt = d_ref[...][:, 0:1]
            mean = s_ref[...] * (1.0 / jnp.maximum(cnt, 1.0))
            o = (jnp.dot(mean, wl_ref[...], preferred_element_type=f32)
                 + jnp.dot(hd_ref[...], wr_ref[...], preferred_element_type=f32)
                 + bb_ref[...])
            m = jnp.mean(o, axis=-1, keepdims=True)
            v = jnp.mean((o - m) * (o - m), axis=-1, keepdims=True)
            o = (o - m) * lax.rsqrt(v + 1e-5) * g_ref[...] + b_ref[...]
            o = jnp.maximum(o, 0.0)
            if add_pe:
                o = o + p_ref[...]
            o_ref[...] = o

        side(si_ref, di_ref, hi_ref, wlu_ref, wru_ref, bbu_ref,
             gi_ref, bi_ref, pi_ref, oi_ref)
        side(su_ref, du_ref, hu_ref, wli_ref, wri_ref, bbi_ref,
             gu_ref, bu_ref, pu_ref, ou_ref)

    row = lambda i: (i, 0)
    full = lambda i: (0, 0)
    return pl.pallas_call(
        body,
        grid=(GRID,),
        in_specs=[
            pl.BlockSpec((BR, C), row),
            pl.BlockSpec((BR, C), row),
            pl.BlockSpec((BR, C), row),
            pl.BlockSpec((BR, C), row),
            pl.BlockSpec((BR, C), row),
            pl.BlockSpec((BR, C), row),
            pl.BlockSpec((BR, C), row),
            pl.BlockSpec((BR, C), row),
            pl.BlockSpec((C, C), full),
            pl.BlockSpec((C, C), full),
            pl.BlockSpec((1, C), full),
            pl.BlockSpec((C, C), full),
            pl.BlockSpec((C, C), full),
            pl.BlockSpec((1, C), full),
            pl.BlockSpec((1, C), full),
            pl.BlockSpec((1, C), full),
            pl.BlockSpec((1, C), full),
            pl.BlockSpec((1, C), full),
        ],
        out_specs=[pl.BlockSpec((BR, C), row)] * 2,
        out_shape=[jax.ShapeDtypeStruct((NU, C), f32)] * 2,
    )(si, su, deg_i, deg_u, hu, hi, pu, pi,
      wl_u2i, wr_u2i, bb_u2i, wl_i2u, wr_i2u, bb_i2u, g_u, b_u, g_i, b_i)


def kernel(x_user, x_item, PE, rev_user, rev_item, edge_index_u2i,
           edge_index_i2u, W_pe, b_pe, Wl_u2i_0, Wr_u2i_0, bb_u2i_0,
           Wl_i2u_0, Wr_i2u_0, bb_i2u_0, ln_g_user_0, ln_b_user_0,
           ln_g_item_0, ln_b_item_0, Wl_u2i_1, Wr_u2i_1, bb_u2i_1,
           Wl_i2u_1, Wr_i2u_1, bb_i2u_1, ln_g_user_1, ln_b_user_1,
           ln_g_item_1, ln_b_item_1):
    i32 = jnp.int32
    rev_u = jnp.pad(rev_user.astype(i32), (0, R - NU))
    rev_i = jnp.pad(rev_item.astype(i32), (0, R - NU))
    pe = jnp.pad(PE.astype(f32), ((0, 0), (0, PEC - PE.shape[1])))
    wpe = jnp.pad(W_pe.astype(f32), ((0, PEC - W_pe.shape[0]), (0, 0)))

    def pad_e(e):
        e = e.astype(i32)
        pad = EP - e.shape[1]
        src = jnp.pad(e[0], (0, pad))
        dst = jnp.pad(e[1], (0, pad), constant_values=NU)
        return jnp.stack([src, dst])

    eu = pad_e(edge_index_u2i)
    ei = pad_e(edge_index_i2u)
    z128 = jnp.zeros((STRIPE, C), f32)
    one128 = jnp.ones((CHUNK, C), f32)
    bpe = b_pe.reshape(1, C)

    peu, pei, deg_i, deg_u = _sc_prep(rev_u, rev_i, pe, eu, ei, z128, one128)
    pu, pi, hu, hi = _tc_prep(peu, pei, wpe, bpe, x_user, x_item)

    params0 = (Wl_u2i_0, Wr_u2i_0, bb_u2i_0.reshape(1, C),
               Wl_i2u_0, Wr_i2u_0, bb_i2u_0.reshape(1, C),
               ln_g_user_0.reshape(1, C), ln_b_user_0.reshape(1, C),
               ln_g_item_0.reshape(1, C), ln_b_item_0.reshape(1, C))
    params1 = (Wl_u2i_1, Wr_u2i_1, bb_u2i_1.reshape(1, C),
               Wl_i2u_1, Wr_i2u_1, bb_i2u_1.reshape(1, C),
               ln_g_user_1.reshape(1, C), ln_b_user_1.reshape(1, C),
               ln_g_item_1.reshape(1, C), ln_b_item_1.reshape(1, C))

    si0, su0 = _sc_segsum(hu, hi, eu, ei, z128)
    hu1, hi1 = _tc_layer(si0, su0, deg_i, deg_u, hu, hi, pu, pi, params0, True)
    si1, su1 = _sc_segsum(hu1, hi1, eu, ei, z128)
    xu, xi = _tc_layer(si1, su1, deg_i, deg_u, hu1, hi1, pu, pi, params1, False)
    return xu, xi

# --- scband reference (transcript-rebuilt; emitter-appended) ---
"""Pipeline reference for scband-hetero-graph-sage-pearl-24524263260183 (READ-ONLY COPY).

The authoritative reference and input builder live on the scoring server;
editing this copy changes nothing except your own understanding.
"""

import jax, jax.numpy as jnp
import numpy as np

N_USER = 10000
N_ITEM = 10000
E = 320000
C = 128
PE_DIM = 37
NUM_LAYERS = 2
INT_NAMES = ["rev_user", "rev_item", "edge_index_u2i", "edge_index_i2u"]


def setup_inputs(seed: int = 0) -> dict:
    key = jax.random.key(seed)
    ctr = [0]
    def nk():
        ctr[0] += 1
        return jax.random.fold_in(key, ctr[0])
    inp = {}
    inp["x_user"] = jax.random.normal(nk(), (N_USER, C), jnp.float32)
    inp["x_item"] = jax.random.normal(nk(), (N_ITEM, C), jnp.float32)
    inp["PE"] = jax.random.normal(nk(), (N_USER + N_ITEM, PE_DIM), jnp.float32)
    inp["rev_user"] = jax.random.randint(nk(), (N_USER,), 0, N_USER + N_ITEM)
    inp["rev_item"] = jax.random.randint(nk(), (N_ITEM,), 0, N_USER + N_ITEM)
    inp["edge_index_u2i"] = jax.random.randint(nk(), (2, E), 0, N_USER)
    inp["edge_index_i2u"] = jax.random.randint(nk(), (2, E), 0, N_ITEM)
    # learned params: PEARL PE projection MLP
    inp["W_pe"] = jax.random.normal(nk(), (PE_DIM, C), jnp.float32) / np.sqrt(PE_DIM)
    inp["b_pe"] = jnp.zeros((C,), jnp.float32)
    # per-layer, per-edge-type SAGEConv params + per-node-type LayerNorm params
    for l in range(NUM_LAYERS):
        for et in ["u2i", "i2u"]:
            inp[f"Wl_{et}_{l}"] = jax.random.normal(nk(), (C, C), jnp.float32) / np.sqrt(C)
            inp[f"Wr_{et}_{l}"] = jax.random.normal(nk(), (C, C), jnp.float32) / np.sqrt(C)
            inp[f"bb_{et}_{l}"] = jnp.zeros((C,), jnp.float32)
        for nt in ["user", "item"]:
            inp[f"ln_g_{nt}_{l}"] = jnp.ones((C,), jnp.float32)
            inp[f"ln_b_{nt}_{l}"] = jnp.zeros((C,), jnp.float32)
    return inp


def _layernorm(x, g, b):
    m = jnp.mean(x, axis=-1, keepdims=True)
    v = jnp.var(x, axis=-1, keepdims=True)
    return (x - m) / jnp.sqrt(v + 1e-5) * g + b


def _sage(x_src, x_dst, ei, Wl, Wr, bb):
    src, dst = ei[0], ei[1]
    n_dst = x_dst.shape[0]
    s = jax.ops.segment_sum(x_src[src], dst, num_segments=n_dst)
    c = jax.ops.segment_sum(jnp.ones((ei.shape[1],), jnp.float32), dst, num_segments=n_dst)
    mean = s / jnp.clip(c, 1.0)[:, None]
    return mean @ Wl + x_dst @ Wr + bb


def _forward(p):
    xu = p["x_user"]
    xi = p["x_item"]
    pe_u_raw = p["PE"][p["rev_user"]]
    pe_i_raw = p["PE"][p["rev_item"]]
    for l in range(NUM_LAYERS):
        pu = jax.nn.relu(pe_u_raw @ p["W_pe"] + p["b_pe"])
        pi = jax.nn.relu(pe_i_raw @ p["W_pe"] + p["b_pe"])
        hu = xu + pu
        hi = xi + pi
        oi = _sage(hu, hi, p["edge_index_u2i"], p[f"Wl_u2i_{l}"], p[f"Wr_u2i_{l}"], p[f"bb_u2i_{l}"])
        ou = _sage(hi, hu, p["edge_index_i2u"], p[f"Wl_i2u_{l}"], p[f"Wr_i2u_{l}"], p[f"bb_i2u_{l}"])
        ou = _layernorm(ou, p[f"ln_g_user_{l}"], p[f"ln_b_user_{l}"])
        oi = _layernorm(oi, p[f"ln_g_item_{l}"], p[f"ln_b_item_{l}"])
        # x.detach().relu() between layers
        xu = jax.nn.relu(jax.lax.stop_gradient(ou))
        xi = jax.nn.relu(jax.lax.stop_gradient(oi))
    return xu, xi


def reference(
    x_user,
    x_item,
    PE,
    rev_user,
    rev_item,
    edge_index_u2i,
    edge_index_i2u,
    W_pe,
    b_pe,
    Wl_u2i_0,
    Wr_u2i_0,
    bb_u2i_0,
    Wl_i2u_0,
    Wr_i2u_0,
    bb_i2u_0,
    ln_g_user_0,
    ln_b_user_0,
    ln_g_item_0,
    ln_b_item_0,
    Wl_u2i_1,
    Wr_u2i_1,
    bb_u2i_1,
    Wl_i2u_1,
    Wr_i2u_1,
    bb_i2u_1,
    ln_g_user_1,
    ln_b_user_1,
    ln_g_item_1,
    ln_b_item_1,
):
    return _forward(dict(locals()))

if __name__ == "__main__":
    import jax
    _d = setup_inputs()
    print(jax.jit(kernel)(*tuple(_d.values())))

</pallas_src>

<mosaic_0001>
#map = affine_map<(d0, d1) -> (0, 0)>
module attributes {stable_mosaic.version = 14 : i64} {
  func.func @k(%arg0: i32, %arg1: i32, %arg2: memref<10000x128xf32, #tpu.memory_space<hbm>>, %arg3: memref<10000x128xf32, #tpu.memory_space<hbm>>, %arg4: memref<2x323584xi32, #tpu.memory_space<hbm>>, %arg5: memref<2x323584xi32, #tpu.memory_space<hbm>>, %arg6: memref<640x128xf32, #tpu.memory_space<hbm>>, %arg7: memref<10240x128xf32, #tpu.memory_space<hbm>>, %arg8: memref<10240x128xf32, #tpu.memory_space<hbm>>, %arg9: memref<2x128xi32, #tpu.memory_space<vmem>>, %arg10: memref<128x128xf32, #tpu.memory_space<vmem>>, %arg11: memref<10240x128xf32, #tpu.memory_space<vmem_shared>>, %arg12: memref<!tpu.dma_semaphore, #tpu.memory_space<semaphore_mem>>) attributes {dimension_semantics = [#tpu.dimension_semantics<core_parallel>, #tpu.dimension_semantics<subcore_parallel>], iteration_bounds = array<i64: 2, 16>, scalar_prefetch = 0 : i64, scratch_operands = 4 : i64, tpu.core_type = #tpu.core_type<sc_vector_subcore>, window_params = [{transform_indices = #map}, {transform_indices = #map}, {transform_indices = #map}, {transform_indices = #map}, {transform_indices = #map}, {transform_indices = #map}, {transform_indices = #map}]} {
    %mul3A = arith.constant 640 : i32
    %mul3A_0 = arith.muli %arg1, %mul3A : i32
    "tpu.region"() ({
      %run_scoped3A = tpu.sem_alloc : memref<!tpu.dma_semaphore, #tpu.memory_space<semaphore_mem>>
      %dma_start3A = arith.constant 0 : i32
      %dma_start3A_8 = tpu.memref_slice %arg11[%mul3A_0, %dma_start3A] : memref<10240x128xf32, #tpu.memory_space<vmem_shared>> -> memref<640x128xf32, #tpu.memory_space<vmem_shared>>
      tpu.enqueue_dma source(%arg6 : memref<640x128xf32, #tpu.memory_space<hbm>>) target(%dma_start3A_8 : memref<640x128xf32, #tpu.memory_space<vmem_shared>>) target_semaphore(%run_scoped3A : memref<!tpu.dma_semaphore, #tpu.memory_space<semaphore_mem>>)
      %dma_wait3A = arith.constant 0 : i32
      %dma_wait3A_9 = tpu.memref_slice %arg11[%mul3A_0, %dma_wait3A] : memref<10240x128xf32, #tpu.memory_space<vmem_shared>> -> memref<640x128xf32, #tpu.memory_space<vmem_shared>>
      tpu.wait_dma2 semaphore(%run_scoped3A : memref<!tpu.dma_semaphore, #tpu.memory_space<semaphore_mem>>) src(%arg6 : memref<640x128xf32, #tpu.memory_space<hbm>>) dst(%dma_wait3A_9 : memref<640x128xf32, #tpu.memory_space<vmem_shared>>)
      tpu.yield
    }) : () -> ()
    %barrier3A = arith.constant 0 : index
    tpu.barrier barrier_id(%barrier3A)
    %eq3A = arith.constant 0 : i32
    %eq3A_1 = arith.cmpi eq, %arg0, %eq3A : i32
    %convert_element_type3A = arith.extui %eq3A_1 : i1 to i32
    %cond3A = arith.constant 0 : i32
    %cond3A_2 = arith.cmpi ne, %convert_element_type3A, %cond3A : i32
    scf.if %cond3A_2 {
      %mul3A_8 = arith.constant 20224 : i32
      %mul3A_9 = arith.muli %arg1, %mul3A_8 : i32
      %scan3A = arith.constant 0 : i32
      %scan3A_10 = arith.constant 0 : i32
      %scan3A_11 = arith.constant 158 : i32
      %scan3A_12 = arith.addi %scan3A_10, %scan3A_11 : i32
      %scan3A_13 = arith.constant 1 : i32
      scf.for %scan3A_16 = %scan3A_10 to %scan3A_12 step %scan3A_13  : i32 {
        %mul3A_17 = arith.constant 128 : i32
        %mul3A_18 = arith.muli %scan3A_16, %mul3A_17 : i32
        %add3A = arith.addi %mul3A_9, %mul3A_18 : i32
        "tpu.region"() ({
          %run_scoped3A_31 = tpu.sem_alloc : memref<!tpu.dma_semaphore, #tpu.memory_space<semaphore_mem>>
          %dma_start3A_32 = arith.constant 0 : i32
          %dma_start3A_33 = tpu.memref_slice %arg4[%dma_start3A_32, %add3A] : memref<2x323584xi32, #tpu.memory_space<hbm>> -> memref<2x128xi32, #tpu.memory_space<hbm>>
          %dma_start3A_34 = arith.constant 0 : i32
          %dma_start3A_35 = tpu.memref_slice %arg4[%dma_start3A_34, %add3A] : memref<2x323584xi32, #tpu.memory_space<hbm>> -> memref<2x128xi32, #tpu.memory_space<hbm>>
          tpu.enqueue_dma source(%dma_start3A_35 : memref<2x128xi32, #tpu.memory_space<hbm>>) target(%arg9 : memref<2x128xi32, #tpu.memory_space<vmem>>) target_semaphore(%run_scoped3A_31 : memref<!tpu.dma_semaphore, #tpu.memory_space<semaphore_mem>>)
          %dma_wait3A_36 = arith.constant 0 : i32
          %dma_wait3A_37 = tpu.memref_slice %arg4[%dma_wait3A_36, %add3A] : memref<2x323584xi32, #tpu.memory_space<hbm>> -> memref<2x128xi32, #tpu.memory_space<hbm>>
          %dma_wait3A_38 = arith.constant 0 : i32
          %dma_wait3A_39 = tpu.memref_slice %arg4[%dma_wait3A_38, %add3A] : memref<2x323584xi32, #tpu.memory_space<hbm>> -> memref<2x128xi32, #tpu.memory_space<hbm>>
          tpu.wait_dma2 semaphore(%run_scoped3A_31 : memref<!tpu.dma_semaphore, #tpu.memory_space<semaphore_mem>>) src(%dma_wait3A_39 : memref<2x128xi32, #tpu.memory_space<hbm>>) dst(%arg9 : memref<2x128xi32, #tpu.memory_space<vmem>>)
          tpu.yield
        }) : () -> ()
        %dma_start3A = arith.constant 0 : i32
        %dma_start3A_19 = arith.constant 0 : i32
        %dma_start3A_20 = tpu.memref_slice %arg9[%dma_start3A, %dma_start3A_19] : memref<2x128xi32, #tpu.memory_space<vmem>> -> memref<1x128xi32, #tpu.memory_space<vmem>>
        %dma_start3A_21 = tpu.memref_squeeze %dma_start3A_20 : memref<1x128xi32, #tpu.memory_space<vmem>> -> memref<128xi32, #tpu.memory_space<vmem>>
        %dma_start3A_22 = arith.constant 0 : i32
        %dma_start3A_23 = arith.constant 0 : i32
        %dma_start3A_24 = tpu.memref_slice %arg2[%dma_start3A_22, %dma_start3A_23] : memref<10000x128xf32, #tpu.memory_space<hbm>> -> memref<10000x128xf32, #tpu.memory_space<hbm>>
        tpu.enqueue_indirect_dma source(%dma_start3A_24 : memref<10000x128xf32, #tpu.memory_space<hbm>>) target(%arg10 : memref<128x128xf32, #tpu.memory_space<vmem>>) offsets(%dma_start3A_21 : memref<128xi32, #tpu.memory_space<vmem>>) semaphore(%arg12 : memref<!tpu.dma_semaphore, #tpu.memory_space<semaphore_mem>>)
        %dma_wait3A = arith.constant 0 : i32
        %dma_wait3A_25 = arith.constant 0 : i32
        %dma_wait3A_26 = tpu.memref_slice %arg9[%dma_wait3A, %dma_wait3A_25] : memref<2x128xi32, #tpu.memory_space<vmem>> -> memref<1x128xi32, #tpu.memory_space<vmem>>
        %dma_wait3A_27 = tpu.memref_squeeze %dma_wait3A_26 : memref<1x128xi32, #tpu.memory_space<vmem>> -> memref<128xi32, #tpu.memory_space<vmem>>
        %dma_wait3A_28 = arith.constant 0 : i32
        %dma_wait3A_29 = arith.constant 0 : i32
        %dma_wait3A_30 = tpu.memref_slice %arg2[%dma_wait3A_28, %dma_wait3A_29] : memref<10000x128xf32, #tpu.memory_space<hbm>> -> memref<10000x128xf32, #tpu.memory_space<hbm>>
        tpu.wait_indirect_dma semaphore(%arg12 : memref<!tpu.dma_semaphore, #tpu.memory_space<semaphore_mem>>) src(%dma_wait3A_30 : memref<10000x128xf32, #tpu.memory_space<hbm>>) dst(%arg10 : memref<128x128xf32, #tpu.memory_space<vmem>>)
        %run_scoped3A = arith.constant 1 : i32
        "tpu.region"() ({
          %run_scoped3A_31 = tpu.sem_alloc : memref<!tpu.dma_semaphore, #tpu.memory_space<semaphore_mem>>
          %dma_start3A_32 = arith.constant 0 : i32
          %dma_start3A_33 = tpu.memref_slice %arg9[%run_scoped3A, %dma_start3A_32] : memref<2x128xi32, #tpu.memory_space<vmem>> -> memref<1x128xi32, #tpu.memory_space<vmem>>
          %dma_start3A_34 = tpu.memref_squeeze %dma_start3A_33 : memref<1x128xi32, #tpu.memory_space<vmem>> -> memref<128xi32, #tpu.memory_space<vmem>>
          %dma_start3A_35 = arith.constant 0 : i32
          %dma_start3A_36 = arith.constant 0 : i32
          %dma_start3A_37 = tpu.memref_slice %arg11[%dma_start3A_35, %dma_start3A_36] : memref<10240x128xf32, #tpu.memory_space<vmem_shared>> -> memref<10240x128xf32, #tpu.memory_space<vmem_shared>>
          tpu.enqueue_indirect_dma source(%arg10 : memref<128x128xf32, #tpu.memory_space<vmem>>) target(%dma_start3A_37 : memref<10240x128xf32, #tpu.memory_space<vmem_shared>>) offsets(%dma_start3A_34 : memref<128xi32, #tpu.memory_space<vmem>>) semaphore(%run_scoped3A_31 : memref<!tpu.dma_semaphore, #tpu.memory_space<semaphore_mem>>) {add = true}
          %dma_wait3A_38 = arith.constant 0 : i32
          %dma_wait3A_39 = tpu.memref_slice %arg9[%run_scoped3A, %dma_wait3A_38] : memref<2x128xi32, #tpu.memory_space<vmem>> -> memref<1x128xi32, #tpu.memory_space<vmem>>
          %dma_wait3A_40 = tpu.memref_squeeze %dma_wait3A_39 : memref<1x128xi32, #tpu.memory_space<vmem>> -> memref<128xi32, #tpu.memory_space<vmem>>
          %dma_wait3A_41 = arith.constant 0 : i32
          %dma_wait3A_42 = arith.constant 0 : i32
          %dma_wait3A_43 = tpu.memref_slice %arg11[%dma_wait3A_41, %dma_wait3A_42] : memref<10240x128xf32, #tpu.memory_space<vmem_shared>> -> memref<10240x128xf32, #tpu.memory_space<vmem_shared>>
          tpu.wait_indirect_dma semaphore(%run_scoped3A_31 : memref<!tpu.dma_semaphore, #tpu.memory_space<semaphore_mem>>) src(%arg10 : memref<128x128xf32, #tpu.memory_space<vmem>>) dst(%dma_wait3A_43 : memref<10240x128xf32, #tpu.memory_space<vmem_shared>>)
          tpu.yield
        }) : () -> ()
      }
      %scan3A_14 = arith.constant 158 : i32
      %barrier3A_15 = arith.constant 0 : index
      tpu.barrier barrier_id(%barrier3A_15)
      "tpu.region"() ({
        %run_scoped3A = tpu.sem_alloc : memref<!tpu.dma_semaphore, #tpu.memory_space<semaphore_mem>>
        %dma_start3A = arith.constant 0 : i32
        %dma_start3A_16 = tpu.memref_slice %arg7[%mul3A_0, %dma_start3A] : memref<10240x128xf32, #tpu.memory_space<hbm>> -> memref<640x128xf32, #tpu.memory_space<hbm>>
        %dma_start3A_17 = arith.constant 0 : i32
        %dma_start3A_18 = tpu.memref_slice %arg11[%mul3A_0, %dma_start3A_17] : memref<10240x128xf32, #tpu.memory_space<vmem_shared>> -> memref<640x128xf32, #tpu.memory_space<vmem_shared>>
        tpu.enqueue_dma source(%dma_start3A_18 : memref<640x128xf32, #tpu.memory_space<vmem_shared>>) target(%dma_start3A_16 : memref<640x128xf32, #tpu.memory_space<hbm>>) target_semaphore(%run_scoped3A : memref<!tpu.dma_semaphore, #tpu.memory_space<semaphore_mem>>)
        %dma_wait3A = arith.constant 0 : i32
        %dma_wait3A_19 = tpu.memref_slice %arg7[%mul3A_0, %dma_wait3A] : memref<10240x128xf32, #tpu.memory_space<hbm>> -> memref<640x128xf32, #tpu.memory_space<hbm>>
        %dma_wait3A_20 = arith.constant 0 : i32
        %dma_wait3A_21 = tpu.memref_slice %arg11[%mul3A_0, %dma_wait3A_20] : memref<10240x128xf32, #tpu.memory_space<vmem_shared>> -> memref<640x128xf32, #tpu.memory_space<vmem_shared>>
        tpu.wait_dma2 semaphore(%run_scoped3A : memref<!tpu.dma_semaphore, #tpu.memory_space<semaphore_mem>>) src(%dma_wait3A_21 : memref<640x128xf32, #tpu.memory_space<vmem_shared>>) dst(%dma_wait3A_19 : memref<640x128xf32, #tpu.memory_space<hbm>>)
        tpu.yield
      }) : () -> ()
    } else {
    }
    %eq3A_3 = arith.constant 1 : i32
    %eq3A_4 = arith.cmpi eq, %arg0, %eq3A_3 : i32
    %convert_element_type3A_5 = arith.extui %eq3A_4 : i1 to i32
    %cond3A_6 = arith.constant 0 : i32
    %cond3A_7 = arith.cmpi ne, %convert_element_type3A_5, %cond3A_6 : i32
    scf.if %cond3A_7 {
      %mul3A_8 = arith.constant 20224 : i32
      %mul3A_9 = arith.muli %arg1, %mul3A_8 : i32
      %scan3A = arith.constant 0 : i32
      %scan3A_10 = arith.constant 0 : i32
      %scan3A_11 = arith.constant 158 : i32
      %scan3A_12 = arith.addi %scan3A_10, %scan3A_11 : i32
      %scan3A_13 = arith.constant 1 : i32
      scf.for %scan3A_16 = %scan3A_10 to %scan3A_12 step %scan3A_13  : i32 {
        %mul3A_17 = arith.constant 128 : i32
        %mul3A_18 = arith.muli %scan3A_16, %mul3A_17 : i32
        %add3A = arith.addi %mul3A_9, %mul3A_18 : i32
        "tpu.region"() ({
          %run_scoped3A_31 = tpu.sem_alloc : memref<!tpu.dma_semaphore, #tpu.memory_space<semaphore_mem>>
          %dma_start3A_32 = arith.constant 0 : i32
          %dma_start3A_33 = tpu.memref_slice %arg5[%dma_start3A_32, %add3A] : memref<2x323584xi32, #tpu.memory_space<hbm>> -> memref<2x128xi32, #tpu.memory_space<hbm>>
          %dma_start3A_34 = arith.constant 0 : i32
          %dma_start3A_35 = tpu.memref_slice %arg5[%dma_start3A_34, %add3A] : memref<2x323584xi32, #tpu.memory_space<hbm>> -> memref<2x128xi32, #tpu.memory_space<hbm>>
          tpu.enqueue_dma source(%dma_start3A_35 : memref<2x128xi32, #tpu.memory_space<hbm>>) target(%arg9 : memref<2x128xi32, #tpu.memory_space<vmem>>) target_semaphore(%run_scoped3A_31 : memref<!tpu.dma_semaphore, #tpu.memory_space<semaphore_mem>>)
          %dma_wait3A_36 = arith.constant 0 : i32
          %dma_wait3A_37 = tpu.memref_slice %arg5[%dma_wait3A_36, %add3A] : memref<2x323584xi32, #tpu.memory_space<hbm>> -> memref<2x128xi32, #tpu.memory_space<hbm>>
          %dma_wait3A_38 = arith.constant 0 : i32
          %dma_wait3A_39 = tpu.memref_slice %arg5[%dma_wait3A_38, %add3A] : memref<2x323584xi32, #tpu.memory_space<hbm>> -> memref<2x128xi32, #tpu.memory_space<hbm>>
          tpu.wait_dma2 semaphore(%run_scoped3A_31 : memref<!tpu.dma_semaphore, #tpu.memory_space<semaphore_mem>>) src(%dma_wait3A_39 : memref<2x128xi32, #tpu.memory_space<hbm>>) dst(%arg9 : memref<2x128xi32, #tpu.memory_space<vmem>>)
          tpu.yield
        }) : () -> ()
        %dma_start3A = arith.constant 0 : i32
        %dma_start3A_19 = arith.constant 0 : i32
        %dma_start3A_20 = tpu.memref_slice %arg9[%dma_start3A, %dma_start3A_19] : memref<2x128xi32, #tpu.memory_space<vmem>> -> memref<1x128xi32, #tpu.memory_space<vmem>>
        %dma_start3A_21 = tpu.memref_squeeze %dma_start3A_20 : memref<1x128xi32, #tpu.memory_space<vmem>> -> memref<128xi32, #tpu.memory_space<vmem>>
        %dma_start3A_22 = arith.constant 0 : i32
        %dma_start3A_23 = arith.constant 0 : i32
        %dma_start3A_24 = tpu.memref_slice %arg3[%dma_start3A_22, %dma_start3A_23] : memref<10000x128xf32, #tpu.memory_space<hbm>> -> memref<10000x128xf32, #tpu.memory_space<hbm>>
        tpu.enqueue_indirect_dma source(%dma_start3A_24 : memref<10000x128xf32, #tpu.memory_space<hbm>>) target(%arg10 : memref<128x128xf32, #tpu.memory_space<vmem>>) offsets(%dma_start3A_21 : memref<128xi32, #tpu.memory_space<vmem>>) semaphore(%arg12 : memref<!tpu.dma_semaphore, #tpu.memory_space<semaphore_mem>>)
        %dma_wait3A = arith.constant 0 : i32
        %dma_wait3A_25 = arith.constant 0 : i32
        %dma_wait3A_26 = tpu.memref_slice %arg9[%dma_wait3A, %dma_wait3A_25] : memref<2x128xi32, #tpu.memory_space<vmem>> -> memref<1x128xi32, #tpu.memory_space<vmem>>
        %dma_wait3A_27 = tpu.memref_squeeze %dma_wait3A_26 : memref<1x128xi32, #tpu.memory_space<vmem>> -> memref<128xi32, #tpu.memory_space<vmem>>
        %dma_wait3A_28 = arith.constant 0 : i32
        %dma_wait3A_29 = arith.constant 0 : i32
        %dma_wait3A_30 = tpu.memref_slice %arg3[%dma_wait3A_28, %dma_wait3A_29] : memref<10000x128xf32, #tpu.memory_space<hbm>> -> memref<10000x128xf32, #tpu.memory_space<hbm>>
        tpu.wait_indirect_dma semaphore(%arg12 : memref<!tpu.dma_semaphore, #tpu.memory_space<semaphore_mem>>) src(%dma_wait3A_30 : memref<10000x128xf32, #tpu.memory_space<hbm>>) dst(%arg10 : memref<128x128xf32, #tpu.memory_space<vmem>>)
        %run_scoped3A = arith.constant 1 : i32
        "tpu.region"() ({
          %run_scoped3A_31 = tpu.sem_alloc : memref<!tpu.dma_semaphore, #tpu.memory_space<semaphore_mem>>
          %dma_start3A_32 = arith.constant 0 : i32
          %dma_start3A_33 = tpu.memref_slice %arg9[%run_scoped3A, %dma_start3A_32] : memref<2x128xi32, #tpu.memory_space<vmem>> -> memref<1x128xi32, #tpu.memory_space<vmem>>
          %dma_start3A_34 = tpu.memref_squeeze %dma_start3A_33 : memref<1x128xi32, #tpu.memory_space<vmem>> -> memref<128xi32, #tpu.memory_space<vmem>>
          %dma_start3A_35 = arith.constant 0 : i32
          %dma_start3A_36 = arith.constant 0 : i32
          %dma_start3A_37 = tpu.memref_slice %arg11[%dma_start3A_35, %dma_start3A_36] : memref<10240x128xf32, #tpu.memory_space<vmem_shared>> -> memref<10240x128xf32, #tpu.memory_space<vmem_shared>>
          tpu.enqueue_indirect_dma source(%arg10 : memref<128x128xf32, #tpu.memory_space<vmem>>) target(%dma_start3A_37 : memref<10240x128xf32, #tpu.memory_space<vmem_shared>>) offsets(%dma_start3A_34 : memref<128xi32, #tpu.memory_space<vmem>>) semaphore(%run_scoped3A_31 : memref<!tpu.dma_semaphore, #tpu.memory_space<semaphore_mem>>) {add = true}
          %dma_wait3A_38 = arith.constant 0 : i32
          %dma_wait3A_39 = tpu.memref_slice %arg9[%run_scoped3A, %dma_wait3A_38] : memref<2x128xi32, #tpu.memory_space<vmem>> -> memref<1x128xi32, #tpu.memory_space<vmem>>
          %dma_wait3A_40 = tpu.memref_squeeze %dma_wait3A_39 : memref<1x128xi32, #tpu.memory_space<vmem>> -> memref<128xi32, #tpu.memory_space<vmem>>
          %dma_wait3A_41 = arith.constant 0 : i32
          %dma_wait3A_42 = arith.constant 0 : i32
          %dma_wait3A_43 = tpu.memref_slice %arg11[%dma_wait3A_41, %dma_wait3A_42] : memref<10240x128xf32, #tpu.memory_space<vmem_shared>> -> memref<10240x128xf32, #tpu.memory_space<vmem_shared>>
          tpu.wait_indirect_dma semaphore(%run_scoped3A_31 : memref<!tpu.dma_semaphore, #tpu.memory_space<semaphore_mem>>) src(%arg10 : memref<128x128xf32, #tpu.memory_space<vmem>>) dst(%dma_wait3A_43 : memref<10240x128xf32, #tpu.memory_space<vmem_shared>>)
          tpu.yield
        }) : () -> ()
      }
      %scan3A_14 = arith.constant 158 : i32
      %barrier3A_15 = arith.constant 0 : index
      tpu.barrier barrier_id(%barrier3A_15)
      "tpu.region"() ({
        %run_scoped3A = tpu.sem_alloc : memref<!tpu.dma_semaphore, #tpu.memory_space<semaphore_mem>>
        %dma_start3A = arith.constant 0 : i32
        %dma_start3A_16 = tpu.memref_slice %arg8[%mul3A_0, %dma_start3A] : memref<10240x128xf32, #tpu.memory_space<hbm>> -> memref<640x128xf32, #tpu.memory_space<hbm>>
        %dma_start3A_17 = arith.constant 0 : i32
        %dma_start3A_18 = tpu.memref_slice %arg11[%mul3A_0, %dma_start3A_17] : memref<10240x128xf32, #tpu.memory_space<vmem_shared>> -> memref<640x128xf32, #tpu.memory_space<vmem_shared>>
        tpu.enqueue_dma source(%dma_start3A_18 : memref<640x128xf32, #tpu.memory_space<vmem_shared>>) target(%dma_start3A_16 : memref<640x128xf32, #tpu.memory_space<hbm>>) target_semaphore(%run_scoped3A : memref<!tpu.dma_semaphore, #tpu.memory_space<semaphore_mem>>)
        %dma_wait3A = arith.constant 0 : i32
        %dma_wait3A_19 = tpu.memref_slice %arg8[%mul3A_0, %dma_wait3A] : memref<10240x128xf32, #tpu.memory_space<hbm>> -> memref<640x128xf32, #tpu.memory_space<hbm>>
        %dma_wait3A_20 = arith.constant 0 : i32
        %dma_wait3A_21 = tpu.memref_slice %arg11[%mul3A_0, %dma_wait3A_20] : memref<10240x128xf32, #tpu.memory_space<vmem_shared>> -> memref<640x128xf32, #tpu.memory_space<vmem_shared>>
        tpu.wait_dma2 semaphore(%run_scoped3A : memref<!tpu.dma_semaphore, #tpu.memory_space<semaphore_mem>>) src(%dma_wait3A_21 : memref<640x128xf32, #tpu.memory_space<vmem_shared>>) dst(%dma_wait3A_19 : memref<640x128xf32, #tpu.memory_space<hbm>>)
        tpu.yield
      }) : () -> ()
    } else {
    }
    return
  }
}

#map = affine_map<(d0, d1) -> (0, 0)>
module attributes {stable_mosaic.version = 14 : i64} {
  func.func @k(%arg0: i32, %arg1: i32, %arg2: memref<10000x128xf32, #tpu.memory_space<hbm>>, %arg3: memref<10000x128xf32, #tpu.memory_space<hbm>>, %arg4: memref<2x323584xi32, #tpu.memory_space<hbm>>, %arg5: memref<2x323584xi32, #tpu.memory_space<hbm>>, %arg6: memref<640x128xf32, #tpu.memory_space<hbm>>, %arg7: memref<10240x128xf32, #tpu.memory_space<hbm>>, %arg8: memref<10240x128xf32, #tpu.memory_space<hbm>>, %arg9: memref<2x128xi32, #tpu.memory_space<vmem>>, %arg10: memref<128x128xf32, #tpu.memory_space<vmem>>, %arg11: memref<10240x128xf32, #tpu.memory_space<vmem_shared>>, %arg12: memref<!tpu.dma_semaphore, #tpu.memory_space<semaphore_mem>>) attributes {dimension_semantics = [#tpu.dimension_semantics<core_parallel>, #tpu.dimension_semantics<subcore_parallel>], iteration_bounds = array<i64: 2, 16>, scalar_prefetch = 0 : i64, scratch_operands = 4 : i64, tpu.core_type = #tpu.core_type<sc_vector_subcore>, window_params = [{transform_indices = #map}, {transform_indices = #map}, {transform_indices = #map}, {transform_indices = #map}, {transform_indices = #map}, {transform_indices = #map}, {transform_indices = #map}]} {
    %mul3A = arith.constant 640 : i32
    %mul3A_0 = arith.muli %arg1, %mul3A : i32
    "tpu.region"() ({
      %run_scoped3A = tpu.sem_alloc : memref<!tpu.dma_semaphore, #tpu.memory_space<semaphore_mem>>
      %dma_start3A = arith.constant 0 : i32
      %dma_start3A_8 = tpu.memref_slice %arg11[%mul3A_0, %dma_start3A] : memref<10240x128xf32, #tpu.memory_space<vmem_shared>> -> memref<640x128xf32, #tpu.memory_space<vmem_shared>>
      tpu.enqueue_dma source(%arg6 : memref<640x128xf32, #tpu.memory_space<hbm>>) target(%dma_start3A_8 : memref<640x128xf32, #tpu.memory_space<vmem_shared>>) target_semaphore(%run_scoped3A : memref<!tpu.dma_semaphore, #tpu.memory_space<semaphore_mem>>)
      %dma_wait3A = arith.constant 0 : i32
      %dma_wait3A_9 = tpu.memref_slice %arg11[%mul3A_0, %dma_wait3A] : memref<10240x128xf32, #tpu.memory_space<vmem_shared>> -> memref<640x128xf32, #tpu.memory_space<vmem_shared>>
      tpu.wait_dma2 semaphore(%run_scoped3A : memref<!tpu.dma_semaphore, #tpu.memory_space<semaphore_mem>>) src(%arg6 : memref<640x128xf32, #tpu.memory_space<hbm>>) dst(%dma_wait3A_9 : memref<640x128xf32, #tpu.memory_space<vmem_shared>>)
      tpu.yield
    }) : () -> ()
    %barrier3A = arith.constant 0 : index
    tpu.barrier barrier_id(%barrier3A)
    %eq3A = arith.constant 0 : i32
    %eq3A_1 = arith.cmpi eq, %arg0, %eq3A : i32
    %convert_element_type3A = arith.extui %eq3A_1 : i1 to i32
    %cond3A = arith.constant 0 : i32
    %cond3A_2 = arith.cmpi ne, %convert_element_type3A, %cond3A : i32
    scf.if %cond3A_2 {
      %mul3A_8 = arith.constant 20224 : i32
      %mul3A_9 = arith.muli %arg1, %mul3A_8 : i32
      %scan3A = arith.constant 0 : i32
      %scan3A_10 = arith.constant 0 : i32
      %scan3A_11 = arith.constant 158 : i32
      %scan3A_12 = arith.addi %scan3A_10, %scan3A_11 : i32
      %scan3A_13 = arith.constant 1 : i32
      scf.for %scan3A_16 = %scan3A_10 to %scan3A_12 step %scan3A_13  : i32 {
        %mul3A_17 = arith.constant 128 : i32
        %mul3A_18 = arith.muli %scan3A_16, %mul3A_17 : i32
        %add3A = arith.addi %mul3A_9, %mul3A_18 : i32
        "tpu.region"() ({
          %run_scoped3A_31 = tpu.sem_alloc : memref<!tpu.dma_semaphore, #tpu.memory_space<semaphore_mem>>
          %dma_start3A_32 = arith.constant 0 : i32
          %dma_start3A_33 = tpu.memref_slice %arg4[%dma_start3A_32, %add3A] : memref<2x323584xi32, #tpu.memory_space<hbm>> -> memref<2x128xi32, #tpu.memory_space<hbm>>
          %dma_start3A_34 = arith.constant 0 : i32
          %dma_start3A_35 = tpu.memref_slice %arg4[%dma_start3A_34, %add3A] : memref<2x323584xi32, #tpu.memory_space<hbm>> -> memref<2x128xi32, #tpu.memory_space<hbm>>
          tpu.enqueue_dma source(%dma_start3A_35 : memref<2x128xi32, #tpu.memory_space<hbm>>) target(%arg9 : memref<2x128xi32, #tpu.memory_space<vmem>>) target_semaphore(%run_scoped3A_31 : memref<!tpu.dma_semaphore, #tpu.memory_space<semaphore_mem>>)
          %dma_wait3A_36 = arith.constant 0 : i32
          %dma_wait3A_37 = tpu.memref_slice %arg4[%dma_wait3A_36, %add3A] : memref<2x323584xi32, #tpu.memory_space<hbm>> -> memref<2x128xi32, #tpu.memory_space<hbm>>
          %dma_wait3A_38 = arith.constant 0 : i32
          %dma_wait3A_39 = tpu.memref_slice %arg4[%dma_wait3A_38, %add3A] : memref<2x323584xi32, #tpu.memory_space<hbm>> -> memref<2x128xi32, #tpu.memory_space<hbm>>
          tpu.wait_dma2 semaphore(%run_scoped3A_31 : memref<!tpu.dma_semaphore, #tpu.memory_space<semaphore_mem>>) src(%dma_wait3A_39 : memref<2x128xi32, #tpu.memory_space<hbm>>) dst(%arg9 : memref<2x128xi32, #tpu.memory_space<vmem>>)
          tpu.yield
        }) : () -> ()
        %dma_start3A = arith.constant 0 : i32
        %dma_start3A_19 = arith.constant 0 : i32
        %dma_start3A_20 = tpu.memref_slice %arg9[%dma_start3A, %dma_start3A_19] : memref<2x128xi32, #tpu.memory_space<vmem>> -> memref<1x128xi32, #tpu.memory_space<vmem>>
        %dma_start3A_21 = tpu.memref_squeeze %dma_start3A_20 : memref<1x128xi32, #tpu.memory_space<vmem>> -> memref<128xi32, #tpu.memory_space<vmem>>
        %dma_start3A_22 = arith.constant 0 : i32
        %dma_start3A_23 = arith.constant 0 : i32
        %dma_start3A_24 = tpu.memref_slice %arg2[%dma_start3A_22, %dma_start3A_23] : memref<10000x128xf32, #tpu.memory_space<hbm>> -> memref<10000x128xf32, #tpu.memory_space<hbm>>
        tpu.enqueue_indirect_dma source(%dma_start3A_24 : memref<10000x128xf32, #tpu.memory_space<hbm>>) target(%arg10 : memref<128x128xf32, #tpu.memory_space<vmem>>) offsets(%dma_start3A_21 : memref<128xi32, #tpu.memory_space<vmem>>) semaphore(%arg12 : memref<!tpu.dma_semaphore, #tpu.memory_space<semaphore_mem>>)
        %dma_wait3A = arith.constant 0 : i32
        %dma_wait3A_25 = arith.constant 0 : i32
        %dma_wait3A_26 = tpu.memref_slice %arg9[%dma_wait3A, %dma_wait3A_25] : memref<2x128xi32, #tpu.memory_space<vmem>> -> memref<1x128xi32, #tpu.memory_space<vmem>>
        %dma_wait3A_27 = tpu.memref_squeeze %dma_wait3A_26 : memref<1x128xi32, #tpu.memory_space<vmem>> -> memref<128xi32, #tpu.memory_space<vmem>>
        %dma_wait3A_28 = arith.constant 0 : i32
        %dma_wait3A_29 = arith.constant 0 : i32
        %dma_wait3A_30 = tpu.memref_slice %arg2[%dma_wait3A_28, %dma_wait3A_29] : memref<10000x128xf32, #tpu.memory_space<hbm>> -> memref<10000x128xf32, #tpu.memory_space<hbm>>
        tpu.wait_indirect_dma semaphore(%arg12 : memref<!tpu.dma_semaphore, #tpu.memory_space<semaphore_mem>>) src(%dma_wait3A_30 : memref<10000x128xf32, #tpu.memory_space<hbm>>) dst(%arg10 : memref<128x128xf32, #tpu.memory_space<vmem>>)
        %run_scoped3A = arith.constant 1 : i32
        "tpu.region"() ({
          %run_scoped3A_31 = tpu.sem_alloc : memref<!tpu.dma_semaphore, #tpu.memory_space<semaphore_mem>>
          %dma_start3A_32 = arith.constant 0 : i32
          %dma_start3A_33 = tpu.memref_slice %arg9[%run_scoped3A, %dma_start3A_32] : memref<2x128xi32, #tpu.memory_space<vmem>> -> memref<1x128xi32, #tpu.memory_space<vmem>>
          %dma_start3A_34 = tpu.memref_squeeze %dma_start3A_33 : memref<1x128xi32, #tpu.memory_space<vmem>> -> memref<128xi32, #tpu.memory_space<vmem>>
          %dma_start3A_35 = arith.constant 0 : i32
          %dma_start3A_36 = arith.constant 0 : i32
          %dma_start3A_37 = tpu.memref_slice %arg11[%dma_start3A_35, %dma_start3A_36] : memref<10240x128xf32, #tpu.memory_space<vmem_shared>> -> memref<10240x128xf32, #tpu.memory_space<vmem_shared>>
          tpu.enqueue_indirect_dma source(%arg10 : memref<128x128xf32, #tpu.memory_space<vmem>>) target(%dma_start3A_37 : memref<10240x128xf32, #tpu.memory_space<vmem_shared>>) offsets(%dma_start3A_34 : memref<128xi32, #tpu.memory_space<vmem>>) semaphore(%run_scoped3A_31 : memref<!tpu.dma_semaphore, #tpu.memory_space<semaphore_mem>>) {add = true}
          %dma_wait3A_38 = arith.constant 0 : i32
          %dma_wait3A_39 = tpu.memref_slice %arg9[%run_scoped3A, %dma_wait3A_38] : memref<2x128xi32, #tpu.memory_space<vmem>> -> memref<1x128xi32, #tpu.memory_space<vmem>>
          %dma_wait3A_40 = tpu.memref_squeeze %dma_wait3A_39 : memref<1x128xi32, #tpu.memory_space<vmem>> -> memref<128xi32, #tpu.memory_space<vmem>>
          %dma_wait3A_41 = arith.constant 0 : i32
          %dma_wait3A_42 = arith.constant 0 : i32
          %dma_wait3A_43 = tpu.memref_slice %arg11[%dma_wait3A_41, %dma_wait3A_42] : memref<10240x128xf32, #tpu.memory_space<vmem_shared>> -> memref<10240x128xf32, #tpu.memory_space<vmem_shared>>
          tpu.wait_indirect_dma semaphore(%run_scoped3A_31 : memref<!tpu.dma_semaphore, #tpu.memory_space<semaphore_mem>>) src(%arg10 : memref<128x128xf32, #tpu.memory_space<vmem>>) dst(%dma_wait3A_43 : memref<10240x128xf32, #tpu.memory_space<vmem_shared>>)
          tpu.yield
        }) : () -> ()
      }
      %scan3A_14 = arith.constant 158 : i32
      %barrier3A_15 = arith.constant 0 : index
      tpu.barrier barrier_id(%barrier3A_15)
      "tpu.region"() ({
        %run_scoped3A = tpu.sem_alloc : memref<!tpu.dma_semaphore, #tpu.memory_space<semaphore_mem>>
        %dma_start3A = arith.constant 0 : i32
        %dma_start3A_16 = tpu.memref_slice %arg7[%mul3A_0, %dma_start3A] : memref<10240x128xf32, #tpu.memory_space<hbm>> -> memref<640x128xf32, #tpu.memory_space<hbm>>
        %dma_start3A_17 = arith.constant 0 : i32
        %dma_start3A_18 = tpu.memref_slice %arg11[%mul3A_0, %dma_start3A_17] : memref<10240x128xf32, #tpu.memory_space<vmem_shared>> -> memref<640x128xf32, #tpu.memory_space<vmem_shared>>
        tpu.enqueue_dma source(%dma_start3A_18 : memref<640x128xf32, #tpu.memory_space<vmem_shared>>) target(%dma_start3A_16 : memref<640x128xf32, #tpu.memory_space<hbm>>) target_semaphore(%run_scoped3A : memref<!tpu.dma_semaphore, #tpu.memory_space<semaphore_mem>>)
        %dma_wait3A = arith.constant 0 : i32
        %dma_wait3A_19 = tpu.memref_slice %arg7[%mul3A_0, %dma_wait3A] : memref<10240x128xf32, #tpu.memory_space<hbm>> -> memref<640x128xf32, #tpu.memory_space<hbm>>
        %dma_wait3A_20 = arith.constant 0 : i32
        %dma_wait3A_21 = tpu.memref_slice %arg11[%mul3A_0, %dma_wait3A_20] : memref<10240x128xf32, #tpu.memory_space<vmem_shared>> -> memref<640x128xf32, #tpu.memory_space<vmem_shared>>
        tpu.wait_dma2 semaphore(%run_scoped3A : memref<!tpu.dma_semaphore, #tpu.memory_space<semaphore_mem>>) src(%dma_wait3A_21 : memref<640x128xf32, #tpu.memory_space<vmem_shared>>) dst(%dma_wait3A_19 : memref<640x128xf32, #tpu.memory_space<hbm>>)
        tpu.yield
      }) : () -> ()
    } else {
    }
    %eq3A_3 = arith.constant 1 : i32
    %eq3A_4 = arith.cmpi eq, %arg0, %eq3A_3 : i32
    %convert_element_type3A_5 = arith.extui %eq3A_4 : i1 to i32
    %cond3A_6 = arith.constant 0 : i32
    %cond3A_7 = arith.cmpi ne, %convert_element_type3A_5, %cond3A_6 : i32
    scf.if %cond3A_7 {
      %mul3A_8 = arith.constant 20224 : i32
      %mul3A_9 = arith.muli %arg1, %mul3A_8 : i32
      %scan3A = arith.constant 0 : i32
      %scan3A_10 = arith.constant 0 : i32
      %scan3A_11 = arith.constant 158 : i32
      %scan3A_12 = arith.addi %scan3A_10, %scan3A_11 : i32
      %scan3A_13 = arith.constant 1 : i32
      scf.for %scan3A_16 = %scan3A_10 to %scan3A_12 step %scan3A_13  : i32 {
        %mul3A_17 = arith.constant 128 : i32
        %mul3A_18 = arith.muli %scan3A_16, %mul3A_17 : i32
        %add3A = arith.addi %mul3A_9, %mul3A_18 : i32
        "tpu.region"() ({
          %run_scoped3A_31 = tpu.sem_alloc : memref<!tpu.dma_semaphore, #tpu.memory_space<semaphore_mem>>
          %dma_start3A_32 = arith.constant 0 : i32
          %dma_start3A_33 = tpu.memref_slice %arg5[%dma_start3A_32, %add3A] : memref<2x323584xi32, #tpu.memory_space<hbm>> -> memref<2x128xi32, #tpu.memory_space<hbm>>
          %dma_start3A_34 = arith.constant 0 : i32
          %dma_start3A_35 = tpu.memref_slice %arg5[%dma_start3A_34, %add3A] : memref<2x323584xi32, #tpu.memory_space<hbm>> -> memref<2x128xi32, #tpu.memory_space<hbm>>
          tpu.enqueue_dma source(%dma_start3A_35 : memref<2x128xi32, #tpu.memory_space<hbm>>) target(%arg9 : memref<2x128xi32, #tpu.memory_space<vmem>>) target_semaphore(%run_scoped3A_31 : memref<!tpu.dma_semaphore, #tpu.memory_space<semaphore_mem>>)
          %dma_wait3A_36 = arith.constant 0 : i32
          %dma_wait3A_37 = tpu.memref_slice %arg5[%dma_wait3A_36, %add3A] : memref<2x323584xi32, #tpu.memory_space<hbm>> -> memref<2x128xi32, #tpu.memory_space<hbm>>
          %dma_wait3A_38 = arith.constant 0 : i32
          %dma_wait3A_39 = tpu.memref_slice %arg5[%dma_wait3A_38, %add3A] : memref<2x323584xi32, #tpu.memory_space<hbm>> -> memref<2x128xi32, #tpu.memory_space<hbm>>
          tpu.wait_dma2 semaphore(%run_scoped3A_31 : memref<!tpu.dma_semaphore, #tpu.memory_space<semaphore_mem>>) src(%dma_wait3A_39 : memref<2x128xi32, #tpu.memory_space<hbm>>) dst(%arg9 : memref<2x128xi32, #tpu.memory_space<vmem>>)
          tpu.yield
        }) : () -> ()
        %dma_start3A = arith.constant 0 : i32
        %dma_start3A_19 = arith.constant 0 : i32
        %dma_start3A_20 = tpu.memref_slice %arg9[%dma_start3A, %dma_start3A_19] : memref<2x128xi32, #tpu.memory_space<vmem>> -> memref<1x128xi32, #tpu.memory_space<vmem>>
        %dma_start3A_21 = tpu.memref_squeeze %dma_start3A_20 : memref<1x128xi32, #tpu.memory_space<vmem>> -> memref<128xi32, #tpu.memory_space<vmem>>
        %dma_start3A_22 = arith.constant 0 : i32
        %dma_start3A_23 = arith.constant 0 : i32
        %dma_start3A_24 = tpu.memref_slice %arg3[%dma_start3A_22, %dma_start3A_23] : memref<10000x128xf32, #tpu.memory_space<hbm>> -> memref<10000x128xf32, #tpu.memory_space<hbm>>
        tpu.enqueue_indirect_dma source(%dma_start3A_24 : memref<10000x128xf32, #tpu.memory_space<hbm>>) target(%arg10 : memref<128x128xf32, #tpu.memory_space<vmem>>) offsets(%dma_start3A_21 : memref<128xi32, #tpu.memory_space<vmem>>) semaphore(%arg12 : memref<!tpu.dma_semaphore, #tpu.memory_space<semaphore_mem>>)
        %dma_wait3A = arith.constant 0 : i32
        %dma_wait3A_25 = arith.constant 0 : i32
        %dma_wait3A_26 = tpu.memref_slice %arg9[%dma_wait3A, %dma_wait3A_25] : memref<2x128xi32, #tpu.memory_space<vmem>> -> memref<1x128xi32, #tpu.memory_space<vmem>>
        %dma_wait3A_27 = tpu.memref_squeeze %dma_wait3A_26 : memref<1x128xi32, #tpu.memory_space<vmem>> -> memref<128xi32, #tpu.memory_space<vmem>>
        %dma_wait3A_28 = arith.constant 0 : i32
        %dma_wait3A_29 = arith.constant 0 : i32
        %dma_wait3A_30 = tpu.memref_slice %arg3[%dma_wait3A_28, %dma_wait3A_29] : memref<10000x128xf32, #tpu.memory_space<hbm>> -> memref<10000x128xf32, #tpu.memory_space<hbm>>
        tpu.wait_indirect_dma semaphore(%arg12 : memref<!tpu.dma_semaphore, #tpu.memory_space<semaphore_mem>>) src(%dma_wait3A_30 : memref<10000x128xf32, #tpu.memory_space<hbm>>) dst(%arg10 : memref<128x128xf32, #tpu.memory_space<vmem>>)
        %run_scoped3A = arith.constant 1 : i32
        "tpu.region"() ({
          %run_scoped3A_31 = tpu.sem_alloc : memref<!tpu.dma_semaphore, #tpu.memory_space<semaphore_mem>>
          %dma_start3A_32 = arith.constant 0 : i32
          %dma_start3A_33 = tpu.memref_slice %arg9[%run_scoped3A, %dma_start3A_32] : memref<2x128xi32, #tpu.memory_space<vmem>> -> memref<1x128xi32, #tpu.memory_space<vmem>>
          %dma_start3A_34 = tpu.memref_squeeze %dma_start3A_33 : memref<1x128xi32, #tpu.memory_space<vmem>> -> memref<128xi32, #tpu.memory_space<vmem>>
          %dma_start3A_35 = arith.constant 0 : i32
          %dma_start3A_36 = arith.constant 0 : i32
          %dma_start3A_37 = tpu.memref_slice %arg11[%dma_start3A_35, %dma_start3A_36] : memref<10240x128xf32, #tpu.memory_space<vmem_shared>> -> memref<10240x128xf32, #tpu.memory_space<vmem_shared>>
          tpu.enqueue_indirect_dma source(%arg10 : memref<128x128xf32, #tpu.memory_space<vmem>>) target(%dma_start3A_37 : memref<10240x128xf32, #tpu.memory_space<vmem_shared>>) offsets(%dma_start3A_34 : memref<128xi32, #tpu.memory_space<vmem>>) semaphore(%run_scoped3A_31 : memref<!tpu.dma_semaphore, #tpu.memory_space<semaphore_mem>>) {add = true}
          %dma_wait3A_38 = arith.constant 0 : i32
          %dma_wait3A_39 = tpu.memref_slice %arg9[%run_scoped3A, %dma_wait3A_38] : memref<2x128xi32, #tpu.memory_space<vmem>> -> memref<1x128xi32, #tpu.memory_space<vmem>>
          %dma_wait3A_40 = tpu.memref_squeeze %dma_wait3A_39 : memref<1x128xi32, #tpu.memory_space<vmem>> -> memref<128xi32, #tpu.memory_space<vmem>>
          %dma_wait3A_41 = arith.constant 0 : i32
          %dma_wait3A_42 = arith.constant 0 : i32
          %dma_wait3A_43 = tpu.memref_slice %arg11[%dma_wait3A_41, %dma_wait3A_42] : memref<10240x128xf32, #tpu.memory_space<vmem_shared>> -> memref<10240x128xf32, #tpu.memory_space<vmem_shared>>
          tpu.wait_indirect_dma semaphore(%run_scoped3A_31 : memref<!tpu.dma_semaphore, #tpu.memory_space<semaphore_mem>>) src(%arg10 : memref<128x128xf32, #tpu.memory_space<vmem>>) dst(%dma_wait3A_43 : memref<10240x128xf32, #tpu.memory_space<vmem_shared>>)
          tpu.yield
        }) : () -> ()
      }
      %scan3A_14 = arith.constant 158 : i32
      %barrier3A_15 = arith.constant 0 : index
      tpu.barrier barrier_id(%barrier3A_15)
      "tpu.region"() ({
        %run_scoped3A = tpu.sem_alloc : memref<!tpu.dma_semaphore, #tpu.memory_space<semaphore_mem>>
        %dma_start3A = arith.constant 0 : i32
        %dma_start3A_16 = tpu.memref_slice %arg8[%mul3A_0, %dma_start3A] : memref<10240x128xf32, #tpu.memory_space<hbm>> -> memref<640x128xf32, #tpu.memory_space<hbm>>
        %dma_start3A_17 = arith.constant 0 : i32
        %dma_start3A_18 = tpu.memref_slice %arg11[%mul3A_0, %dma_start3A_17] : memref<10240x128xf32, #tpu.memory_space<vmem_shared>> -> memref<640x128xf32, #tpu.memory_space<vmem_shared>>
        tpu.enqueue_dma source(%dma_start3A_18 : memref<640x128xf32, #tpu.memory_space<vmem_shared>>) target(%dma_start3A_16 : memref<640x128xf32, #tpu.memory_space<hbm>>) target_semaphore(%run_scoped3A : memref<!tpu.dma_semaphore, #tpu.memory_space<semaphore_mem>>)
        %dma_wait3A = arith.constant 0 : i32
        %dma_wait3A_19 = tpu.memref_slice %arg8[%mul3A_0, %dma_wait3A] : memref<10240x128xf32, #tpu.memory_space<hbm>> -> memref<640x128xf32, #tpu.memory_space<hbm>>
        %dma_wait3A_20 = arith.constant 0 : i32
        %dma_wait3A_21 = tpu.memref_slice %arg11[%mul3A_0, %dma_wait3A_20] : memref<10240x128xf32, #tpu.memory_space<vmem_shared>> -> memref<640x128xf32, #tpu.memory_space<vmem_shared>>
        tpu.wait_dma2 semaphore(%run_scoped3A : memref<!tpu.dma_semaphore, #tpu.memory_space<semaphore_mem>>) src(%dma_wait3A_21 : memref<640x128xf32, #tpu.memory_space<vmem_shared>>) dst(%dma_wait3A_19 : memref<640x128xf32, #tpu.memory_space<hbm>>)
        tpu.yield
      }) : () -> ()
    } else {
    }
    return
  }
}

#map = affine_map<(d0, d1) -> (0)>
#map1 = affine_map<(d0, d1) -> (0, 0)>
module attributes {stable_mosaic.version = 14 : i64} {
  func.func @k(%arg0: i32, %arg1: i32, %arg2: memref<10240xi32, #tpu.memory_space<hbm>>, %arg3: memref<10240xi32, #tpu.memory_space<hbm>>, %arg4: memref<20000x128xf32, #tpu.memory_space<hbm>>, %arg5: memref<2x323584xi32, #tpu.memory_space<hbm>>, %arg6: memref<2x323584xi32, #tpu.memory_space<hbm>>, %arg7: memref<640x128xf32, #tpu.memory_space<hbm>>, %arg8: memref<128x128xf32, #tpu.memory_space<hbm>>, %arg9: memref<10240x128xf32, #tpu.memory_space<hbm>>, %arg10: memref<10240x128xf32, #tpu.memory_space<hbm>>, %arg11: memref<10240x128xf32, #tpu.memory_space<hbm>>, %arg12: memref<10240x128xf32, #tpu.memory_space<hbm>>, %arg13: memref<128xi32, #tpu.memory_space<vmem>>, %arg14: memref<128xi32, #tpu.memory_space<vmem>>, %arg15: memref<128x128xf32, #tpu.memory_space<vmem>>, %arg16: memref<128x128xf32, #tpu.memory_space<vmem>>, %arg17: memref<10240x128xf32, #tpu.memory_space<vmem_shared>>, %arg18: memref<!tpu.dma_semaphore, #tpu.memory_space<semaphore_mem>>) attributes {dimension_semantics = [#tpu.dimension_semantics<core_parallel>, #tpu.dimension_semantics<subcore_parallel>], iteration_bounds = array<i64: 2, 16>, scalar_prefetch = 0 : i64, scratch_operands = 6 : i64, tpu.core_type = #tpu.core_type<sc_vector_subcore>, window_params = [{transform_indices = #map}, {transform_indices = #map}, {transform_indices = #map1}, {transform_indices = #map1}, {transform_indices = #map1}, {transform_indices = #map1}, {transform_indices = #map1}, {transform_indices = #map1}, {transform_indices = #map1}, {transform_indices = #map1}, {transform_indices = #map1}]} {
    %mul3A = arith.constant 640 : i32
    %mul3A_0 = arith.muli %arg1, %mul3A : i32
    "tpu.region"() ({
      %run_scoped3A = tpu.sem_alloc : memref<!tpu.dma_semaphore, #tpu.memory_space<semaphore_mem>>
      %dma_start3A = arith.constant 0 : i32
      %dma_start3A_8 = tpu.memref_slice %arg17[%mul3A_0, %dma_start3A] : memref<10240x128xf32, #tpu.memory_space<vmem_shared>> -> memref<640x128xf32, #tpu.memory_space<vmem_shared>>
      tpu.enqueue_dma source(%arg7 : memref<640x128xf32, #tpu.memory_space<hbm>>) target(%dma_start3A_8 : memref<640x128xf32, #tpu.memory_space<vmem_shared>>) target_semaphore(%run_scoped3A : memref<!tpu.dma_semaphore, #tpu.memory_space<semaphore_mem>>)
      %dma_wait3A = arith.constant 0 : i32
      %dma_wait3A_9 = tpu.memref_slice %arg17[%mul3A_0, %dma_wait3A] : memref<10240x128xf32, #tpu.memory_space<vmem_shared>> -> memref<640x128xf32, #tpu.memory_space<vmem_shared>>
      tpu.wait_dma2 semaphore(%run_scoped3A : memref<!tpu.dma_semaphore, #tpu.memory_space<semaphore_mem>>) src(%arg7 : memref<640x128xf32, #tpu.memory_space<hbm>>) dst(%dma_wait3A_9 : memref<640x128xf32, #tpu.memory_space<vmem_shared>>)
      tpu.yield
    }) : () -> ()
    "tpu.region"() ({
      %run_scoped3A = tpu.sem_alloc : memref<!tpu.dma_semaphore, #tpu.memory_space<semaphore_mem>>
      tpu.enqueue_dma source(%arg8 : memref<128x128xf32, #tpu.memory_space<hbm>>) target(%arg16 : memref<128x128xf32, #tpu.memory_space<vmem>>) target_semaphore(%run_scoped3A : memref<!tpu.dma_semaphore, #tpu.memory_space<semaphore_mem>>)
      tpu.wait_dma2 semaphore(%run_scoped3A : memref<!tpu.dma_semaphore, #tpu.memory_space<semaphore_mem>>) src(%arg8 : memref<128x128xf32, #tpu.memory_space<hbm>>) dst(%arg16 : memref<128x128xf32, #tpu.memory_space<vmem>>)
      tpu.yield
    }) : () -> ()
    %barrier3A = arith.constant 0 : index
    tpu.barrier barrier_id(%barrier3A)
    %eq3A = arith.constant 0 : i32
    %eq3A_1 = arith.cmpi eq, %arg0, %eq3A : i32
    %convert_element_type3A = arith.extui %eq3A_1 : i1 to i32
    %cond3A = arith.constant 0 : i32
    %cond3A_2 = arith.cmpi ne, %convert_element_type3A, %cond3A : i32
    scf.if %cond3A_2 {
      %scan3A = arith.constant 0 : i32
      %scan3A_8 = arith.constant 0 : i32
      %scan3A_9 = arith.constant 5 : i32
      %scan3A_10 = arith.addi %scan3A_8, %scan3A_9 : i32
      %scan3A_11 = arith.constant 1 : i32
      scf.for %scan3A_22 = %scan3A_8 to %scan3A_10 step %scan3A_11  : i32 {
        %mul3A_23 = arith.constant 128 : i32
        %mul3A_24 = arith.muli %scan3A_22, %mul3A_23 : i32
        %add3A = arith.addi %mul3A_0, %mul3A_24 : i32
        "tpu.region"() ({
          %run_scoped3A = tpu.sem_alloc : memref<!tpu.dma_semaphore, #tpu.memory_space<semaphore_mem>>
          %dma_start3A_29 = tpu.memref_slice %arg2[%add3A] : memref<10240xi32, #tpu.memory_space<hbm>> -> memref<128xi32, #tpu.memory_space<hbm>>
          %dma_start3A_30 = tpu.memref_slice %arg2[%add3A] : memref<10240xi32, #tpu.memory_space<hbm>> -> memref<128xi32, #tpu.memory_space<hbm>>
          tpu.enqueue_dma source(%dma_start3A_30 : memref<128xi32, #tpu.memory_space<hbm>>) target(%arg13 : memref<128xi32, #tpu.memory_space<vmem>>) target_semaphore(%run_scoped3A : memref<!tpu.dma_semaphore, #tpu.memory_space<semaphore_mem>>)
          %dma_wait3A_31 = tpu.memref_slice %arg2[%add3A] : memref<10240xi32, #tpu.memory_space<hbm>> -> memref<128xi32, #tpu.memory_space<hbm>>
          %dma_wait3A_32 = tpu.memref_slice %arg2[%add3A] : memref<10240xi32, #tpu.memory_space<hbm>> -> memref<128xi32, #tpu.memory_space<hbm>>
          tpu.wait_dma2 semaphore(%run_scoped3A : memref<!tpu.dma_semaphore, #tpu.memory_space<semaphore_mem>>) src(%dma_wait3A_32 : memref<128xi32, #tpu.memory_space<hbm>>) dst(%arg13 : memref<128xi32, #tpu.memory_space<vmem>>)
          tpu.yield
        }) : () -> ()
        %dma_start3A = arith.constant 0 : i32
        %dma_start3A_25 = arith.constant 0 : i32
        %dma_start3A_26 = tpu.memref_slice %arg4[%dma_start3A, %dma_start3A_25] : memref<20000x128xf32, #tpu.memory_space<hbm>> -> memref<20000x128xf32, #tpu.memory_space<hbm>>
        tpu.enqueue_indirect_dma source(%dma_start3A_26 : memref<20000x128xf32, #tpu.memory_space<hbm>>) target(%arg15 : memref<128x128xf32, #tpu.memory_space<vmem>>) offsets(%arg13 : memref<128xi32, #tpu.memory_space<vmem>>) semaphore(%arg18 : memref<!tpu.dma_semaphore, #tpu.memory_space<semaphore_mem>>)
        %dma_wait3A = arith.constant 0 : i32
        %dma_wait3A_27 = arith.constant 0 : i32
        %dma_wait3A_28 = tpu.memref_slice %arg4[%dma_wait3A, %dma_wait3A_27] : memref<20000x128xf32, #tpu.memory_space<hbm>> -> memref<20000x128xf32, #tpu.memory_space<hbm>>
        tpu.wait_indirect_dma semaphore(%arg18 : memref<!tpu.dma_semaphore, #tpu.memory_space<semaphore_mem>>) src(%dma_wait3A_28 : memref<20000x128xf32, #tpu.memory_space<hbm>>) dst(%arg15 : memref<128x128xf32, #tpu.memory_space<vmem>>)
        "tpu.region"() ({
          %run_scoped3A = tpu.sem_alloc : memref<!tpu.dma_semaphore, #tpu.memory_space<semaphore_mem>>
          %dma_start3A_29 = arith.constant 0 : i32
          %dma_start3A_30 = tpu.memref_slice %arg9[%add3A, %dma_start3A_29] : memref<10240x128xf32, #tpu.memory_space<hbm>> -> memref<128x128xf32, #tpu.memory_space<hbm>>
          %dma_start3A_31 = arith.constant 0 : i32
          %dma_start3A_32 = tpu.memref_slice %arg9[%add3A, %dma_start3A_31] : memref<10240x128xf32, #tpu.memory_space<hbm>> -> memref<128x128xf32, #tpu.memory_space<hbm>>
          tpu.enqueue_dma source(%arg15 : memref<128x128xf32, #tpu.memory_space<vmem>>) target(%dma_start3A_32 : memref<128x128xf32, #tpu.memory_space<hbm>>) target_semaphore(%run_scoped3A : memref<!tpu.dma_semaphore, #tpu.memory_space<semaphore_mem>>)
          %dma_wait3A_33 = arith.constant 0 : i32
          %dma_wait3A_34 = tpu.memref_slice %arg9[%add3A, %dma_wait3A_33] : memref<10240x128xf32, #tpu.memory_space<hbm>> -> memref<128x128xf32, #tpu.memory_space<hbm>>
          %dma_wait3A_35 = arith.constant 0 : i32
          %dma_wait3A_36 = tpu.memref_slice %arg9[%add3A, %dma_wait3A_35] : memref<10240x128xf32, #tpu.memory_space<hbm>> -> memref<128x128xf32, #tpu.memory_space<hbm>>
          tpu.wait_dma2 semaphore(%run_scoped3A : memref<!tpu.dma_semaphore, #tpu.memory_space<semaphore_mem>>) src(%arg15 : memref<128x128xf32, #tpu.memory_space<vmem>>) dst(%dma_wait3A_36 : memref<128x128xf32, #tpu.memory_space<hbm>>)
          tpu.yield
        }) : () -> ()
      }
      %scan3A_12 = arith.constant 5 : i32
      %mul3A_13 = arith.constant 20224 : i32
      %mul3A_14 = arith.muli %arg1, %mul3A_13 : i32
      %scan3A_15 = arith.constant 0 : i32
      %scan3A_16 = arith.constant 0 : i32
      %scan3A_17 = arith.constant 158 : i32
      %scan3A_18 = arith.addi %scan3A_16, %scan3A_17 : i32
      %scan3A_19 = arith.constant 1 : i32
      scf.for %scan3A_22 = %scan3A_16 to %scan3A_18 step %scan3A_19  : i32 {
        %mul3A_23 = arith.constant 128 : i32
        %mul3A_24 = arith.muli %scan3A_22, %mul3A_23 : i32
        %add3A = arith.addi %mul3A_14, %mul3A_24 : i32
        %run_scoped3A = arith.constant 1 : i32
        "tpu.region"() ({
          %run_scoped3A_25 = tpu.sem_alloc : memref<!tpu.dma_semaphore, #tpu.memory_space<semaphore_mem>>
          %dma_start3A = tpu.memref_slice %arg5[%run_scoped3A, %add3A] : memref<2x323584xi32, #tpu.memory_space<hbm>> -> memref<1x128xi32, #tpu.memory_space<hbm>>
          %dma_start3A_26 = tpu.memref_squeeze %dma_start3A : memref<1x128xi32, #tpu.memory_space<hbm>> -> memref<128xi32, #tpu.memory_space<hbm>>
          %dma_start3A_27 = tpu.memref_slice %arg5[%run_scoped3A, %add3A] : memref<2x323584xi32, #tpu.memory_space<hbm>> -> memref<1x128xi32, #tpu.memory_space<hbm>>
          %dma_start3A_28 = tpu.memref_squeeze %dma_start3A_27 : memref<1x128xi32, #tpu.memory_space<hbm>> -> memref<128xi32, #tpu.memory_space<hbm>>
          tpu.enqueue_dma source(%dma_start3A_28 : memref<128xi32, #tpu.memory_space<hbm>>) target(%arg14 : memref<128xi32, #tpu.memory_space<vmem>>) target_semaphore(%run_scoped3A_25 : memref<!tpu.dma_semaphore, #tpu.memory_space<semaphore_mem>>)
          %dma_wait3A = tpu.memref_slice %arg5[%run_scoped3A, %add3A] : memref<2x323584xi32, #tpu.memory_space<hbm>> -> memref<1x128xi32, #tpu.memory_space<hbm>>
          %dma_wait3A_29 = tpu.memref_squeeze %dma_wait3A : memref<1x128xi32, #tpu.memory_space<hbm>> -> memref<128xi32, #tpu.memory_space<hbm>>
          %dma_wait3A_30 = tpu.memref_slice %arg5[%run_scoped3A, %add3A] : memref<2x323584xi32, #tpu.memory_space<hbm>> -> memref<1x128xi32, #tpu.memory_space<hbm>>
          %dma_wait3A_31 = tpu.memref_squeeze %dma_wait3A_30 : memref<1x128xi32, #tpu.memory_space<hbm>> -> memref<128xi32, #tpu.memory_space<hbm>>
          tpu.wait_dma2 semaphore(%run_scoped3A_25 : memref<!tpu.dma_semaphore, #tpu.memory_space<semaphore_mem>>) src(%dma_wait3A_31 : memref<128xi32, #tpu.memory_space<hbm>>) dst(%arg14 : memref<128xi32, #tpu.memory_space<vmem>>)
          tpu.yield
        }) : () -> ()
        "tpu.region"() ({
          %run_scoped3A_25 = tpu.sem_alloc : memref<!tpu.dma_semaphore, #tpu.memory_space<semaphore_mem>>
          %dma_start3A = arith.constant 0 : i32
          %dma_start3A_26 = arith.constant 0 : i32
          %dma_start3A_27 = tpu.memref_slice %arg17[%dma_start3A, %dma_start3A_26] : memref<10240x128xf32, #tpu.memory_space<vmem_shared>> -> memref<10240x128xf32, #tpu.memory_space<vmem_shared>>
          tpu.enqueue_indirect_dma source(%arg16 : memref<128x128xf32, #tpu.memory_space<vmem>>) target(%dma_start3A_27 : memref<10240x128xf32, #tpu.memory_space<vmem_shared>>) offsets(%arg14 : memref<128xi32, #tpu.memory_space<vmem>>) semaphore(%run_scoped3A_25 : memref<!tpu.dma_semaphore, #tpu.memory_space<semaphore_mem>>) {add = true}
          %dma_wait3A = arith.constant 0 : i32
          %dma_wait3A_28 = arith.constant 0 : i32
          %dma_wait3A_29 = tpu.memref_slice %arg17[%dma_wait3A, %dma_wait3A_28] : memref<10240x128xf32, #tpu.memory_space<vmem_shared>> -> memref<10240x128xf32, #tpu.memory_space<vmem_shared>>
          tpu.wait_indirect_dma semaphore(%run_scoped3A_25 : memref<!tpu.dma_semaphore, #tpu.memory_space<semaphore_mem>>) src(%arg16 : memref<128x128xf32, #tpu.memory_space<vmem>>) dst(%dma_wait3A_29 : memref<10240x128xf32, #tpu.memory_space<vmem_shared>>)
          tpu.yield
        }) : () -> ()
      }
      %scan3A_20 = arith.constant 158 : i32
      %barrier3A_21 = arith.constant 0 : index
      tpu.barrier barrier_id(%barrier3A_21)
      "tpu.region"() ({
        %run_scoped3A = tpu.sem_alloc : memref<!tpu.dma_semaphore, #tpu.memory_space<semaphore_mem>>
        %dma_start3A = arith.constant 0 : i32
        %dma_start3A_22 = tpu.memref_slice %arg11[%mul3A_0, %dma_start3A] : memref<10240x128xf32, #tpu.memory_space<hbm>> -> memref<640x128xf32, #tpu.memory_space<hbm>>
        %dma_start3A_23 = arith.constant 0 : i32
        %dma_start3A_24 = tpu.memref_slice %arg17[%mul3A_0, %dma_start3A_23] : memref<10240x128xf32, #tpu.memory_space<vmem_shared>> -> memref<640x128xf32, #tpu.memory_space<vmem_shared>>
        tpu.enqueue_dma source(%dma_start3A_24 : memref<640x128xf32, #tpu.memory_space<vmem_shared>>) target(%dma_start3A_22 : memref<640x128xf32, #tpu.memory_space<hbm>>) target_semaphore(%run_scoped3A : memref<!tpu.dma_semaphore, #tpu.memory_space<semaphore_mem>>)
        %dma_wait3A = arith.constant 0 : i32
        %dma_wait3A_25 = tpu.memref_slice %arg11[%mul3A_0, %dma_wait3A] : memref<10240x128xf32, #tpu.memory_space<hbm>> -> memref<640x128xf32, #tpu.memory_space<hbm>>
        %dma_wait3A_26 = arith.constant 0 : i32
        %dma_wait3A_27 = tpu.memref_slice %arg17[%mul3A_0, %dma_wait3A_26] : memref<10240x128xf32, #tpu.memory_space<vmem_shared>> -> memref<640x128xf32, #tpu.memory_space<vmem_shared>>
        tpu.wait_dma2 semaphore(%run_scoped3A : memref<!tpu.dma_semaphore, #tpu.memory_space<semaphore_mem>>) src(%dma_wait3A_27 : memref<640x128xf32, #tpu.memory_space<vmem_shared>>) dst(%dma_wait3A_25 : memref<640x128xf32, #tpu.memory_space<hbm>>)
        tpu.yield
      }) : () -> ()
    } else {
    }
    %eq3A_3 = arith.constant 1 : i32
    %eq3A_4 = arith.cmpi eq, %arg0, %eq3A_3 : i32
    %convert_element_type3A_5 = arith.extui %eq3A_4 : i1 to i32
    %cond3A_6 = arith.constant 0 : i32
    %cond3A_7 = arith.cmpi ne, %convert_element_type3A_5, %cond3A_6 : i32
    scf.if %cond3A_7 {
      %scan3A = arith.constant 0 : i32
      %scan3A_8 = arith.constant 0 : i32
      %scan3A_9 = arith.constant 5 : i32
      %scan3A_10 = arith.addi %scan3A_8, %scan3A_9 : i32
      %scan3A_11 = arith.constant 1 : i32
      scf.for %scan3A_22 = %scan3A_8 to %scan3A_10 step %scan3A_11  : i32 {
        %mul3A_23 = arith.constant 128 : i32
        %mul3A_24 = arith.muli %scan3A_22, %mul3A_23 : i32
        %add3A = arith.addi %mul3A_0, %mul3A_24 : i32
        "tpu.region"() ({
          %run_scoped3A = tpu.sem_alloc : memref<!tpu.dma_semaphore, #tpu.memory_space<semaphore_mem>>
          %dma_start3A_29 = tpu.memref_slice %arg3[%add3A] : memref<10240xi32, #tpu.memory_space<hbm>> -> memref<128xi32, #tpu.memory_space<hbm>>
          %dma_start3A_30 = tpu.memref_slice %arg3[%add3A] : memref<10240xi32, #tpu.memory_space<hbm>> -> memref<128xi32, #tpu.memory_space<hbm>>
          tpu.enqueue_dma source(%dma_start3A_30 : memref<128xi32, #tpu.memory_space<hbm>>) target(%arg13 : memref<128xi32, #tpu.memory_space<vmem>>) target_semaphore(%run_scoped3A : memref<!tpu.dma_semaphore, #tpu.memory_space<semaphore_mem>>)
          %dma_wait3A_31 = tpu.memref_slice %arg3[%add3A] : memref<10240xi32, #tpu.memory_space<hbm>> -> memref<128xi32, #tpu.memory_space<hbm>>
          %dma_wait3A_32 = tpu.memref_slice %arg3[%add3A] : memref<10240xi32, #tpu.memory_space<hbm>> -> memref<128xi32, #tpu.memory_space<hbm>>
          tpu.wait_dma2 semaphore(%run_scoped3A : memref<!tpu.dma_semaphore, #tpu.memory_space<semaphore_mem>>) src(%dma_wait3A_32 : memref<128xi32, #tpu.memory_space<hbm>>) dst(%arg13 : memref<128xi32, #tpu.memory_space<vmem>>)
          tpu.yield
        }) : () -> ()
        %dma_start3A = arith.constant 0 : i32
        %dma_start3A_25 = arith.constant 0 : i32
        %dma_start3A_26 = tpu.memref_slice %arg4[%dma_start3A, %dma_start3A_25] : memref<20000x128xf32, #tpu.memory_space<hbm>> -> memref<20000x128xf32, #tpu.memory_space<hbm>>
        tpu.enqueue_indirect_dma source(%dma_start3A_26 : memref<20000x128xf32, #tpu.memory_space<hbm>>) target(%arg15 : memref<128x128xf32, #tpu.memory_space<vmem>>) offsets(%arg13 : memref<128xi32, #tpu.memory_space<vmem>>) semaphore(%arg18 : memref<!tpu.dma_semaphore, #tpu.memory_space<semaphore_mem>>)
        %dma_wait3A = arith.constant 0 : i32
        %dma_wait3A_27 = arith.constant 0 : i32
        %dma_wait3A_28 = tpu.memref_slice %arg4[%dma_wait3A, %dma_wait3A_27] : memref<20000x128xf32, #tpu.memory_space<hbm>> -> memref<20000x128xf32, #tpu.memory_space<hbm>>
        tpu.wait_indirect_dma semaphore(%arg18 : memref<!tpu.dma_semaphore, #tpu.memory_space<semaphore_mem>>) src(%dma_wait3A_28 : memref<20000x128xf32, #tpu.memory_space<hbm>>) dst(%arg15 : memref<128x128xf32, #tpu.memory_space<vmem>>)
        "tpu.region"() ({
          %run_scoped3A = tpu.sem_alloc : memref<!tpu.dma_semaphore, #tpu.memory_space<semaphore_mem>>
          %dma_start3A_29 = arith.constant 0 : i32
          %dma_start3A_30 = tpu.memref_slice %arg10[%add3A, %dma_start3A_29] : memref<10240x128xf32, #tpu.memory_space<hbm>> -> memref<128x128xf32, #tpu.memory_space<hbm>>
          %dma_start3A_31 = arith.constant 0 : i32
          %dma_start3A_32 = tpu.memref_slice %arg10[%add3A, %dma_start3A_31] : memref<10240x128xf32, #tpu.memory_space<hbm>> -> memref<128x128xf32, #tpu.memory_space<hbm>>
          tpu.enqueue_dma source(%arg15 : memref<128x128xf32, #tpu.memory_space<vmem>>) target(%dma_start3A_32 : memref<128x128xf32, #tpu.memory_space<hbm>>) target_semaphore(%run_scoped3A : memref<!tpu.dma_semaphore, #tpu.memory_space<semaphore_mem>>)
          %dma_wait3A_33 = arith.constant 0 : i32
          %dma_wait3A_34 = tpu.memref_slice %arg10[%add3A, %dma_wait3A_33] : memref<10240x128xf32, #tpu.memory_space<hbm>> -> memref<128x128xf32, #tpu.memory_space<hbm>>
          %dma_wait3A_35 = arith.constant 0 : i32
          %dma_wait3A_36 = tpu.memref_slice %arg10[%add3A, %dma_wait3A_35] : memref<10240x128xf32, #tpu.memory_space<hbm>> -> memref<128x128xf32, #tpu.memory_space<hbm>>
          tpu.wait_dma2 semaphore(%run_scoped3A : memref<!tpu.dma_semaphore, #tpu.memory_space<semaphore_mem>>) src(%arg15 : memref<128x128xf32, #tpu.memory_space<vmem>>) dst(%dma_wait3A_36 : memref<128x128xf32, #tpu.memory_space<hbm>>)
          tpu.yield
        }) : () -> ()
      }
      %scan3A_12 = arith.constant 5 : i32
      %mul3A_13 = arith.constant 20224 : i32
      %mul3A_14 = arith.muli %arg1, %mul3A_13 : i32
      %scan3A_15 = arith.constant 0 : i32
      %scan3A_16 = arith.constant 0 : i32
      %scan3A_17 = arith.constant 158 : i32
      %scan3A_18 = arith.addi %scan3A_16, %scan3A_17 : i32
      %scan3A_19 = arith.constant 1 : i32
      scf.for %scan3A_22 = %scan3A_16 to %scan3A_18 step %scan3A_19  : i32 {
        %mul3A_23 = arith.constant 128 : i32
        %mul3A_24 = arith.muli %scan3A_22, %mul3A_23 : i32
        %add3A = arith.addi %mul3A_14, %mul3A_24 : i32
        %run_scoped3A = arith.constant 1 : i32
        "tpu.region"() ({
          %run_scoped3A_25 = tpu.sem_alloc : memref<!tpu.dma_semaphore, #tpu.memory_space<semaphore_mem>>
          %dma_start3A = tpu.memref_slice %arg6[%run_scoped3A, %add3A] : memref<2x323584xi32, #tpu.memory_space<hbm>> -> memref<1x128xi32, #tpu.memory_space<hbm>>
          %dma_start3A_26 = tpu.memref_squeeze %dma_start3A : memref<1x128xi32, #tpu.memory_space<hbm>> -> memref<128xi32, #tpu.memory_space<hbm>>
          %dma_start3A_27 = tpu.memref_slice %arg6[%run_scoped3A, %add3A] : memref<2x323584xi32, #tpu.memory_space<hbm>> -> memref<1x128xi32, #tpu.memory_space<hbm>>
          %dma_start3A_28 = tpu.memref_squeeze %dma_start3A_27 : memref<1x128xi32, #tpu.memory_space<hbm>> -> memref<128xi32, #tpu.memory_space<hbm>>
          tpu.enqueue_dma source(%dma_start3A_28 : memref<128xi32, #tpu.memory_space<hbm>>) target(%arg14 : memref<128xi32, #tpu.memory_space<vmem>>) target_semaphore(%run_scoped3A_25 : memref<!tpu.dma_semaphore, #tpu.memory_space<semaphore_mem>>)
          %dma_wait3A = tpu.memref_slice %arg6[%run_scoped3A, %add3A] : memref<2x323584xi32, #tpu.memory_space<hbm>> -> memref<1x128xi32, #tpu.memory_space<hbm>>
          %dma_wait3A_29 = tpu.memref_squeeze %dma_wait3A : memref<1x128xi32, #tpu.memory_space<hbm>> -> memref<128xi32, #tpu.memory_space<hbm>>
          %dma_wait3A_30 = tpu.memref_slice %arg6[%run_scoped3A, %add3A] : memref<2x323584xi32, #tpu.memory_space<hbm>> -> memref<1x128xi32, #tpu.memory_space<hbm>>
          %dma_wait3A_31 = tpu.memref_squeeze %dma_wait3A_30 : memref<1x128xi32, #tpu.memory_space<hbm>> -> memref<128xi32, #tpu.memory_space<hbm>>
          tpu.wait_dma2 semaphore(%run_scoped3A_25 : memref<!tpu.dma_semaphore, #tpu.memory_space<semaphore_mem>>) src(%dma_wait3A_31 : memref<128xi32, #tpu.memory_space<hbm>>) dst(%arg14 : memref<128xi32, #tpu.memory_space<vmem>>)
          tpu.yield
        }) : () -> ()
        "tpu.region"() ({
          %run_scoped3A_25 = tpu.sem_alloc : memref<!tpu.dma_semaphore, #tpu.memory_space<semaphore_mem>>
          %dma_start3A = arith.constant 0 : i32
          %dma_start3A_26 = arith.constant 0 : i32
          %dma_start3A_27 = tpu.memref_slice %arg17[%dma_start3A, %dma_start3A_26] : memref<10240x128xf32, #tpu.memory_space<vmem_shared>> -> memref<10240x128xf32, #tpu.memory_space<vmem_shared>>
          tpu.enqueue_indirect_dma source(%arg16 : memref<128x128xf32, #tpu.memory_space<vmem>>) target(%dma_start3A_27 : memref<10240x128xf32, #tpu.memory_space<vmem_shared>>) offsets(%arg14 : memref<128xi32, #tpu.memory_space<vmem>>) semaphore(%run_scoped3A_25 : memref<!tpu.dma_semaphore, #tpu.memory_space<semaphore_mem>>) {add = true}
          %dma_wait3A = arith.constant 0 : i32
          %dma_wait3A_28 = arith.constant 0 : i32
          %dma_wait3A_29 = tpu.memref_slice %arg17[%dma_wait3A, %dma_wait3A_28] : memref<10240x128xf32, #tpu.memory_space<vmem_shared>> -> memref<10240x128xf32, #tpu.memory_space<vmem_shared>>
          tpu.wait_indirect_dma semaphore(%run_scoped3A_25 : memref<!tpu.dma_semaphore, #tpu.memory_space<semaphore_mem>>) src(%arg16 : memref<128x128xf32, #tpu.memory_space<vmem>>) dst(%dma_wait3A_29 : memref<10240x128xf32, #tpu.memory_space<vmem_shared>>)
          tpu.yield
        }) : () -> ()
      }
      %scan3A_20 = arith.constant 158 : i32
      %barrier3A_21 = arith.constant 0 : index
      tpu.barrier barrier_id(%barrier3A_21)
      "tpu.region"() ({
        %run_scoped3A = tpu.sem_alloc : memref<!tpu.dma_semaphore, #tpu.memory_space<semaphore_mem>>
        %dma_start3A = arith.constant 0 : i32
        %dma_start3A_22 = tpu.memref_slice %arg12[%mul3A_0, %dma_start3A] : memref<10240x128xf32, #tpu.memory_space<hbm>> -> memref<640x128xf32, #tpu.memory_space<hbm>>
        %dma_start3A_23 = arith.constant 0 : i32
        %dma_start3A_24 = tpu.memref_slice %arg17[%mul3A_0, %dma_start3A_23] : memref<10240x128xf32, #tpu.memory_space<vmem_shared>> -> memref<640x128xf32, #tpu.memory_space<vmem_shared>>
        tpu.enqueue_dma source(%dma_start3A_24 : memref<640x128xf32, #tpu.memory_space<vmem_shared>>) target(%dma_start3A_22 : memref<640x128xf32, #tpu.memory_space<hbm>>) target_semaphore(%run_scoped3A : memref<!tpu.dma_semaphore, #tpu.memory_space<semaphore_mem>>)
        %dma_wait3A = arith.constant 0 : i32
        %dma_wait3A_25 = tpu.memref_slice %arg12[%mul3A_0, %dma_wait3A] : memref<10240x128xf32, #tpu.memory_space<hbm>> -> memref<640x128xf32, #tpu.memory_space<hbm>>
        %dma_wait3A_26 = arith.constant 0 : i32
        %dma_wait3A_27 = tpu.memref_slice %arg17[%mul3A_0, %dma_wait3A_26] : memref<10240x128xf32, #tpu.memory_space<vmem_shared>> -> memref<640x128xf32, #tpu.memory_space<vmem_shared>>
        tpu.wait_dma2 semaphore(%run_scoped3A : memref<!tpu.dma_semaphore, #tpu.memory_space<semaphore_mem>>) src(%dma_wait3A_27 : memref<640x128xf32, #tpu.memory_space<vmem_shared>>) dst(%dma_wait3A_25 : memref<640x128xf32, #tpu.memory_space<hbm>>)
        tpu.yield
      }) : () -> ()
    } else {
    }
    return
  }
}

module attributes {stable_mosaic.version = 14 : i64} {
  func.func @body(%arg0: i32, %arg1: memref<2000x128xf32, #tpu.memory_space<vmem>>, %arg2: memref<2000x128xf32, #tpu.memory_space<vmem>>, %arg3: memref<128x128xf32, #tpu.memory_space<vmem>>, %arg4: memref<1x128xf32, #tpu.memory_space<vmem>>, %arg5: memref<2000x128xf32, #tpu.memory_space<vmem>>, %arg6: memref<2000x128xf32, #tpu.memory_space<vmem>>, %arg7: memref<2000x128xf32, #tpu.memory_space<vmem>>, %arg8: memref<2000x128xf32, #tpu.memory_space<vmem>>, %arg9: memref<2000x128xf32, #tpu.memory_space<vmem>>, %arg10: memref<2000x128xf32, #tpu.memory_space<vmem>>) attributes {dimension_semantics = [#tpu.dimension_semantics<arbitrary>], iteration_bounds = array<i64: 5>, scalar_prefetch = 0 : i64, scratch_operands = 0 : i64, tpu.core_type = #tpu.core_type<tc>, window_params = [{transform_indices = @transform_0, window_bounds = array<i64: 2000, 128>}, {transform_indices = @transform_1, window_bounds = array<i64: 2000, 128>}, {pipeline_mode = #tpu.pipeline_mode<synchronous>, transform_indices = @transform_2, window_bounds = array<i64: 128, 128>}, {pipeline_mode = #tpu.pipeline_mode<synchronous>, transform_indices = @transform_3, window_bounds = array<i64: 1, 128>}, {transform_indices = @transform_4, window_bounds = array<i64: 2000, 128>}, {transform_indices = @transform_5, window_bounds = array<i64: 2000, 128>}, {transform_indices = @transform_6, window_bounds = array<i64: 2000, 128>}, {transform_indices = @transform_7, window_bounds = array<i64: 2000, 128>}, {transform_indices = @transform_8, window_bounds = array<i64: 2000, 128>}, {transform_indices = @transform_9, window_bounds = array<i64: 2000, 128>}]} {
    %get3A = arith.constant 0 : index
    %get3A_0 = arith.constant 0 : index
    %get3A_1 = vector.load %arg3[%get3A, %get3A_0] : memref<128x128xf32, #tpu.memory_space<vmem>>, vector<128x128xf32>
    %get3A_2 = arith.constant 0 : index
    %get3A_3 = arith.constant 0 : index
    %get3A_4 = vector.load %arg4[%get3A_2, %get3A_3] : memref<1x128xf32, #tpu.memory_space<vmem>>, vector<1x128xf32>
    %get3A_5 = arith.constant 0 : index
    %get3A_6 = arith.constant 0 : index
    %get3A_7 = vector.load %arg1[%get3A_5, %get3A_6] : memref<2000x128xf32, #tpu.memory_space<vmem>>, vector<2000x128xf32>
    %dot_general3A = arith.constant dense<0.000000e+00> : vector<2000x128xf32>
    %dot_general3A_8 = tpu.matmul %get3A_7, %get3A_1, %dot_general3A {dimension_numbers = #tpu.dot_dimension_numbers<[1], [0], [0], [1], [0, 0, 1, 1], [], []>, transpose_lhs_hint = false} : vector<2000x128xf32>, vector<128x128xf32>, vector<2000x128xf32> -> vector<2000x128xf32>
    %add3A = vector.broadcast %get3A_4 : vector<1x128xf32> to vector<2000x128xf32>
    %add3A_9 = arith.addf %dot_general3A_8, %add3A : vector<2000x128xf32>
    %max3A = arith.constant 0.000000e+00 : f32
    %max3A_10 = vector.broadcast %max3A : f32 to vector<2000x128xf32>
    %max3A_11 = arith.maximumf %add3A_9, %max3A_10 : vector<2000x128xf32>
    %get3A_12 = arith.constant 0 : index
    %get3A_13 = arith.constant 0 : index
    %get3A_14 = vector.load %arg2[%get3A_12, %get3A_13] : memref<2000x128xf32, #tpu.memory_space<vmem>>, vector<2000x128xf32>
    %dot_general3A_15 = arith.constant dense<0.000000e+00> : vector<2000x128xf32>
    %dot_general3A_16 = tpu.matmul %get3A_14, %get3A_1, %dot_general3A_15 {dimension_numbers = #tpu.dot_dimension_numbers<[1], [0], [0], [1], [0, 0, 1, 1], [], []>, transpose_lhs_hint = false} : vector<2000x128xf32>, vector<128x128xf32>, vector<2000x128xf32> -> vector<2000x128xf32>
    %add3A_17 = vector.broadcast %get3A_4 : vector<1x128xf32> to vector<2000x128xf32>
    %add3A_18 = arith.addf %dot_general3A_16, %add3A_17 : vector<2000x128xf32>
    %max3A_19 = arith.constant 0.000000e+00 : f32
    %max3A_20 = vector.broadcast %max3A_19 : f32 to vector<2000x128xf32>
    %max3A_21 = arith.maximumf %add3A_18, %max3A_20 : vector<2000x128xf32>
    %swap3A = arith.constant 0 : index
    %swap3A_22 = arith.constant 0 : index
    %swap3A_23 = vector.load %arg7[%swap3A, %swap3A_22] : memref<2000x128xf32, #tpu.memory_space<vmem>>, vector<2000x128xf32>
    tpu.vector_store %arg7[%swap3A, %swap3A_22], %max3A_11 {strides = array<i32>} : memref<2000x128xf32, #tpu.memory_space<vmem>>, vector<2000x128xf32>,
    %swap3A_24 = arith.constant 0 : index
    %swap3A_25 = arith.constant 0 : index
    %swap3A_26 = vector.load %arg8[%swap3A_24, %swap3A_25] : memref<2000x128xf32, #tpu.memory_space<vmem>>, vector<2000x128xf32>
    tpu.vector_store %arg8[%swap3A_24, %swap3A_25], %max3A_21 {strides = array<i32>} : memref<2000x128xf32, #tpu.memory_space<vmem>>, vector<2000x128xf32>,
    %get3A_27 = arith.constant 0 : index
    %get3A_28 = arith.constant 0 : index
    %get3A_29 = vector.load %arg5[%get3A_27, %get3A_28] : memref<2000x128xf32, #tpu.memory_space<vmem>>, vector<2000x128xf32>
    %add3A_30 = arith.addf %get3A_29, %max3A_11 : vector<2000x128xf32>
    %swap3A_31 = arith.constant 0 : index
    %swap3A_32 = arith.constant 0 : index
    %swap3A_33 = vector.load %arg9[%swap3A_31, %swap3A_32] : memref<2000x128xf32, #tpu.memory_space<vmem>>, vector<2000x128xf32>
    tpu.vector_store %arg9[%swap3A_31, %swap3A_32], %add3A_30 {strides = array<i32>} : memref<2000x128xf32, #tpu.memory_space<vmem>>, vector<2000x128xf32>,
    %get3A_34 = arith.constant 0 : index
    %get3A_35 = arith.constant 0 : index
    %get3A_36 = vector.load %arg6[%get3A_34, %get3A_35] : memref<2000x128xf32, #tpu.memory_space<vmem>>, vector<2000x128xf32>
    %add3A_37 = arith.addf %get3A_36, %max3A_21 : vector<2000x128xf32>
    %swap3A_38 = arith.constant 0 : index
    %swap3A_39 = arith.constant 0 : index
    %swap3A_40 = vector.load %arg10[%swap3A_38, %swap3A_39] : memref<2000x128xf32, #tpu.memory_space<vmem>>, vector<2000x128xf32>
    tpu.vector_store %arg10[%swap3A_38, %swap3A_39], %add3A_37 {strides = array<i32>} : memref<2000x128xf32, #tpu.memory_space<vmem>>, vector<2000x128xf32>,
    return
  }
  func.func @transform_0(%arg0: i32) -> (i32, i32) {
    %c0_i32 = arith.constant 0 : i32
    %c0_i32_0 = arith.constant 0 : i32
    return %arg0, %c0_i32 : i32, i32
  }
  func.func @transform_1(%arg0: i32) -> (i32, i32) {
    %c0_i32 = arith.constant 0 : i32
    %c0_i32_0 = arith.constant 0 : i32
    return %arg0, %c0_i32 : i32, i32
  }
  func.func @transform_2(%arg0: i32) -> (i32, i32) {
    %c0_i32 = arith.constant 0 : i32
    %c0_i32_0 = arith.constant 0 : i32
    %c0_i32_1 = arith.constant 0 : i32
    return %c0_i32, %c0_i32_0 : i32, i32
  }
  func.func @transform_3(%arg0: i32) -> (i32, i32) {
    %c0_i32 = arith.constant 0 : i32
    %c0_i32_0 = arith.constant 0 : i32
    %c0_i32_1 = arith.constant 0 : i32
    return %c0_i32, %c0_i32_0 : i32, i32
  }
  func.func @transform_4(%arg0: i32) -> (i32, i32) {
    %c0_i32 = arith.constant 0 : i32
    %c0_i32_0 = arith.constant 0 : i32
    return %arg0, %c0_i32 : i32, i32
  }
  func.func @transform_5(%arg0: i32) -> (i32, i32) {
    %c0_i32 = arith.constant 0 : i32
    %c0_i32_0 = arith.constant 0 : i32
    return %arg0, %c0_i32 : i32, i32
  }
  func.func @transform_6(%arg0: i32) -> (i32, i32) {
    %c0_i32 = arith.constant 0 : i32
    %c0_i32_0 = arith.constant 0 : i32
    return %arg0, %c0_i32 : i32, i32
  }
  func.func @transform_7(%arg0: i32) -> (i32, i32) {
    %c0_i32 = arith.constant 0 : i32
    %c0_i32_0 = arith.constant 0 : i32
    return %arg0, %c0_i32 : i32, i32
  }
  func.func @transform_8(%arg0: i32) -> (i32, i32) {
    %c0_i32 = arith.constant 0 : i32
    %c0_i32_0 = arith.constant 0 : i32
    return %arg0, %c0_i32 : i32, i32
  }
  func.func @transform_9(%arg0: i32) -> (i32, i32) {
    %c0_i32 = arith.constant 0 : i32
    %c0_i32_0 = arith.constant 0 : i32
    return %arg0, %c0_i32 : i32, i32
  }
}

module attributes {stable_mosaic.version = 14 : i64} {
  func.func @body(%arg0: i32, %arg1: memref<2000x128xf32, #tpu.memory_space<vmem>>, %arg2: memref<2000x128xf32, #tpu.memory_space<vmem>>, %arg3: memref<2000x128xf32, #tpu.memory_space<vmem>>, %arg4: memref<2000x128xf32, #tpu.memory_space<vmem>>, %arg5: memref<2000x128xf32, #tpu.memory_space<vmem>>, %arg6: memref<2000x128xf32, #tpu.memory_space<vmem>>, %arg7: memref<2000x128xf32, #tpu.memory_space<vmem>>, %arg8: memref<2000x128xf32, #tpu.memory_space<vmem>>, %arg9: memref<128x128xf32, #tpu.memory_space<vmem>>, %arg10: memref<128x128xf32, #tpu.memory_space<vmem>>, %arg11: memref<1x128xf32, #tpu.memory_space<vmem>>, %arg12: memref<128x128xf32, #tpu.memory_space<vmem>>, %arg13: memref<128x128xf32, #tpu.memory_space<vmem>>, %arg14: memref<1x128xf32, #tpu.memory_space<vmem>>, %arg15: memref<1x128xf32, #tpu.memory_space<vmem>>, %arg16: memref<1x128xf32, #tpu.memory_space<vmem>>, %arg17: memref<1x128xf32, #tpu.memory_space<vmem>>, %arg18: memref<1x128xf32, #tpu.memory_space<vmem>>, %arg19: memref<2000x128xf32, #tpu.memory_space<vmem>>, %arg20: memref<2000x128xf32, #tpu.memory_space<vmem>>) attributes {dimension_semantics = [#tpu.dimension_semantics<arbitrary>], iteration_bounds = array<i64: 5>, scalar_prefetch = 0 : i64, scratch_operands = 0 : i64, tpu.core_type = #tpu.core_type<tc>, window_params = [{transform_indices = @transform_0, window_bounds = array<i64: 2000, 128>}, {transform_indices = @transform_1, window_bounds = array<i64: 2000, 128>}, {transform_indices = @transform_2, window_bounds = array<i64: 2000, 128>}, {transform_indices = @transform_3, window_bounds = array<i64: 2000, 128>}, {transform_indices = @transform_4, window_bounds = array<i64: 2000, 128>}, {transform_indices = @transform_5, window_bounds = array<i64: 2000, 128>}, {transform_indices = @transform_6, window_bounds = array<i64: 2000, 128>}, {transform_indices = @transform_7, window_bounds = array<i64: 2000, 128>}, {pipeline_mode = #tpu.pipeline_mode<synchronous>, transform_indices = @transform_8, window_bounds = array<i64: 128, 128>}, {pipeline_mode = #tpu.pipeline_mode<synchronous>, transform_indices = @transform_9, window_bounds = array<i64: 128, 128>}, {pipeline_mode = #tpu.pipeline_mode<synchronous>, transform_indices = @transform_10, window_bounds = array<i64: 1, 128>}, {pipeline_mode = #tpu.pipeline_mode<synchronous>, transform_indices = @transform_11, window_bounds = array<i64: 128, 128>}, {pipeline_mode = #tpu.pipeline_mode<synchronous>, transform_indices = @transform_12, window_bounds = array<i64: 128, 128>}, {pipeline_mode = #tpu.pipeline_mode<synchronous>, transform_indices = @transform_13, window_bounds = array<i64: 1, 128>}, {pipeline_mode = #tpu.pipeline_mode<synchronous>, transform_indices = @transform_14, window_bounds = array<i64: 1, 128>}, {pipeline_mode = #tpu.pipeline_mode<synchronous>, transform_indices = @transform_15, window_bounds = array<i64: 1, 128>}, {pipeline_mode = #tpu.pipeline_mode<synchronous>, transform_indices = @transform_16, window_bounds = array<i64: 1, 128>}, {pipeline_mode = #tpu.pipeline_mode<synchronous>, transform_indices = @transform_17, window_bounds = array<i64: 1, 128>}, {transform_indices = @transform_18, window_bounds = array<i64: 2000, 128>}, {transform_indices = @transform_19, window_bounds = array<i64: 2000, 128>}]} {
    %get3A = arith.constant 0 : index
    %get3A_0 = arith.constant 0 : index
    %get3A_1 = vector.load %arg3[%get3A, %get3A_0] : memref<2000x128xf32, #tpu.memory_space<vmem>>, vector<2000x128xf32>
    %slice3A = vector.extract_strided_slice %get3A_1 {offsets = [0, 0], sizes = [2000, 1], strides = [1, 1]} : vector<2000x128xf32> to vector<2000x1xf32>
    %get3A_2 = arith.constant 0 : index
    %get3A_3 = arith.constant 0 : index
    %get3A_4 = vector.load %arg1[%get3A_2, %get3A_3] : memref<2000x128xf32, #tpu.memory_space<vmem>>, vector<2000x128xf32>
    %max3A = arith.constant 1.000000e+00 : f32
    %max3A_5 = vector.broadcast %max3A : f32 to vector<2000x1xf32>
    %max3A_6 = arith.maximumf %slice3A, %max3A_5 : vector<2000x1xf32>
    %div3A = arith.constant 1.000000e+00 : f32
    %div3A_7 = vector.broadcast %div3A : f32 to vector<2000x1xf32>
    %div3A_8 = arith.divf %div3A_7, %max3A_6 : vector<2000x1xf32>
    %mul3A = vector.broadcast %div3A_8 : vector<2000x1xf32> to vector<2000x128xf32>
    %mul3A_9 = arith.mulf %get3A_4, %mul3A : vector<2000x128xf32>
    %get3A_10 = arith.constant 0 : index
    %get3A_11 = arith.constant 0 : index
    %get3A_12 = vector.load %arg9[%get3A_10, %get3A_11] : memref<128x128xf32, #tpu.memory_space<vmem>>, vector<128x128xf32>
    %dot_general3A = arith.constant dense<0.000000e+00> : vector<2000x128xf32>
    %dot_general3A_13 = tpu.matmul %mul3A_9, %get3A_12, %dot_general3A {dimension_numbers = #tpu.dot_dimension_numbers<[1], [0], [0], [1], [0, 0, 1, 1], [], []>, transpose_lhs_hint = false} : vector<2000x128xf32>, vector<128x128xf32>, vector<2000x128xf32> -> vector<2000x128xf32>
    %get3A_14 = arith.constant 0 : index
    %get3A_15 = arith.constant 0 : index
    %get3A_16 = vector.load %arg6[%get3A_14, %get3A_15] : memref<2000x128xf32, #tpu.memory_space<vmem>>, vector<2000x128xf32>
    %get3A_17 = arith.constant 0 : index
    %get3A_18 = arith.constant 0 : index
    %get3A_19 = vector.load %arg10[%get3A_17, %get3A_18] : memref<128x128xf32, #tpu.memory_space<vmem>>, vector<128x128xf32>
    %dot_general3A_20 = arith.constant dense<0.000000e+00> : vector<2000x128xf32>
    %dot_general3A_21 = tpu.matmul %get3A_16, %get3A_19, %dot_general3A_20 {dimension_numbers = #tpu.dot_dimension_numbers<[1], [0], [0], [1], [0, 0, 1, 1], [], []>, transpose_lhs_hint = false} : vector<2000x128xf32>, vector<128x128xf32>, vector<2000x128xf32> -> vector<2000x128xf32>
    %add3A = arith.addf %dot_general3A_13, %dot_general3A_21 : vector<2000x128xf32>
    %get3A_22 = arith.constant 0 : index
    %get3A_23 = arith.constant 0 : index
    %get3A_24 = vector.load %arg11[%get3A_22, %get3A_23] : memref<1x128xf32, #tpu.memory_space<vmem>>, vector<1x128xf32>
    %add3A_25 = vector.broadcast %get3A_24 : vector<1x128xf32> to vector<2000x128xf32>
    %add3A_26 = arith.addf %add3A, %add3A_25 : vector<2000x128xf32>
    %reduce_sum3A = arith.constant dense<0.000000e+00> : vector<2000xf32>
    %reduce_sum3A_27 = vector.multi_reduction <add>, %add3A_26, %reduce_sum3A [1] : vector<2000x128xf32> to vector<2000xf32>
    %broadcast_in_dim3A = vector.shape_cast %reduce_sum3A_27 : vector<2000xf32> to vector<2000x1xf32>
    %div3A_28 = arith.constant 1.280000e+02 : f32
    %div3A_29 = vector.broadcast %div3A_28 : f32 to vector<2000x1xf32>
    %div3A_30 = arith.divf %broadcast_in_dim3A, %div3A_29 : vector<2000x1xf32>
    %sub3A = vector.broadcast %div3A_30 : vector<2000x1xf32> to vector<2000x128xf32>
    %sub3A_31 = arith.subf %add3A_26, %sub3A : vector<2000x128xf32>
    %sub3A_32 = vector.broadcast %div3A_30 : vector<2000x1xf32> to vector<2000x128xf32>
    %sub3A_33 = arith.subf %add3A_26, %sub3A_32 : vector<2000x128xf32>
    %mul3A_34 = arith.mulf %sub3A_31, %sub3A_33 : vector<2000x128xf32>
    %reduce_sum3A_35 = arith.constant dense<0.000000e+00> : vector<2000xf32>
    %reduce_sum3A_36 = vector.multi_reduction <add>, %mul3A_34, %reduce_sum3A_35 [1] : vector<2000x128xf32> to vector<2000xf32>
    %broadcast_in_dim3A_37 = vector.shape_cast %reduce_sum3A_36 : vector<2000xf32> to vector<2000x1xf32>
    %div3A_38 = arith.constant 1.280000e+02 : f32
    %div3A_39 = vector.broadcast %div3A_38 : f32 to vector<2000x1xf32>
    %div3A_40 = arith.divf %broadcast_in_dim3A_37, %div3A_39 : vector<2000x1xf32>
    %sub3A_41 = vector.broadcast %div3A_30 : vector<2000x1xf32> to vector<2000x128xf32>
    %sub3A_42 = arith.subf %add3A_26, %sub3A_41 : vector<2000x128xf32>
    %add3A_43 = arith.constant 9.99999974E-6 : f32
    %add3A_44 = vector.broadcast %add3A_43 : f32 to vector<2000x1xf32>
    %add3A_45 = arith.addf %div3A_40, %add3A_44 : vector<2000x1xf32>
    %rsqrt3A = math.rsqrt %add3A_45 : vector<2000x1xf32>
    %mul3A_46 = vector.broadcast %rsqrt3A : vector<2000x1xf32> to vector<2000x128xf32>
    %mul3A_47 = arith.mulf %sub3A_42, %mul3A_46 : vector<2000x128xf32>
    %get3A_48 = arith.constant 0 : index
    %get3A_49 = arith.constant 0 : index
    %get3A_50 = vector.load %arg17[%get3A_48, %get3A_49] : memref<1x128xf32, #tpu.memory_space<vmem>>, vector<1x128xf32>
    %mul3A_51 = vector.broadcast %get3A_50 : vector<1x128xf32> to vector<2000x128xf32>
    %mul3A_52 = arith.mulf %mul3A_47, %mul3A_51 : vector<2000x128xf32>
    %get3A_53 = arith.constant 0 : index
    %get3A_54 = arith.constant 0 : index
    %get3A_55 = vector.load %arg18[%get3A_53, %get3A_54] : memref<1x128xf32, #tpu.memory_space<vmem>>, vector<1x128xf32>
    %add3A_56 = vector.broadcast %get3A_55 : vector<1x128xf32> to vector<2000x128xf32>
    %add3A_57 = arith.addf %mul3A_52, %add3A_56 : vector<2000x128xf32>
    %max3A_58 = arith.constant 0.000000e+00 : f32
    %max3A_59 = vector.broadcast %max3A_58 : f32 to vector<2000x128xf32>
    %max3A_60 = arith.maximumf %add3A_57, %max3A_59 : vector<2000x128xf32>
    %get3A_61 = arith.constant 0 : index
    %get3A_62 = arith.constant 0 : index
    %get3A_63 = vector.load %arg8[%get3A_61, %get3A_62] : memref<2000x128xf32, #tpu.memory_space<vmem>>, vector<2000x128xf32>
    %add3A_64 = arith.addf %max3A_60, %get3A_63 : vector<2000x128xf32>
    %swap3A = arith.constant 0 : index
    %swap3A_65 = arith.constant 0 : index
    %swap3A_66 = vector.load %arg20[%swap3A, %swap3A_65] : memref<2000x128xf32, #tpu.memory_space<vmem>>, vector<2000x128xf32>
    tpu.vector_store %arg20[%swap3A, %swap3A_65], %add3A_64 {strides = array<i32>} : memref<2000x128xf32, #tpu.memory_space<vmem>>, vector<2000x128xf32>,
    %get3A_67 = arith.constant 0 : index
    %get3A_68 = arith.constant 0 : index
    %get3A_69 = vector.load %arg4[%get3A_67, %get3A_68] : memref<2000x128xf32, #tpu.memory_space<vmem>>, vector<2000x128xf32>
    %slice3A_70 = vector.extract_strided_slice %get3A_69 {offsets = [0, 0], sizes = [2000, 1], strides = [1, 1]} : vector<2000x128xf32> to vector<2000x1xf32>
    %get3A_71 = arith.constant 0 : index
    %get3A_72 = arith.constant 0 : index
    %get3A_73 = vector.load %arg2[%get3A_71, %get3A_72] : memref<2000x128xf32, #tpu.memory_space<vmem>>, vector<2000x128xf32>
    %max3A_74 = arith.constant 1.000000e+00 : f32
    %max3A_75 = vector.broadcast %max3A_74 : f32 to vector<2000x1xf32>
    %max3A_76 = arith.maximumf %slice3A_70, %max3A_75 : vector<2000x1xf32>
    %div3A_77 = arith.constant 1.000000e+00 : f32
    %div3A_78 = vector.broadcast %div3A_77 : f32 to vector<2000x1xf32>
    %div3A_79 = arith.divf %div3A_78, %max3A_76 : vector<2000x1xf32>
    %mul3A_80 = vector.broadcast %div3A_79 : vector<2000x1xf32> to vector<2000x128xf32>
    %mul3A_81 = arith.mulf %get3A_73, %mul3A_80 : vector<2000x128xf32>
    %get3A_82 = arith.constant 0 : index
    %get3A_83 = arith.constant 0 : index
    %get3A_84 = vector.load %arg12[%get3A_82, %get3A_83] : memref<128x128xf32, #tpu.memory_space<vmem>>, vector<128x128xf32>
    %dot_general3A_85 = arith.constant dense<0.000000e+00> : vector<2000x128xf32>
    %dot_general3A_86 = tpu.matmul %mul3A_81, %get3A_84, %dot_general3A_85 {dimension_numbers = #tpu.dot_dimension_numbers<[1], [0], [0], [1], [0, 0, 1, 1], [], []>, transpose_lhs_hint = false} : vector<2000x128xf32>, vector<128x128xf32>, vector<2000x128xf32> -> vector<2000x128xf32>
    %get3A_87 = arith.constant 0 : index
    %get3A_88 = arith.constant 0 : index
    %get3A_89 = vector.load %arg5[%get3A_87, %get3A_88] : memref<2000x128xf32, #tpu.memory_space<vmem>>, vector<2000x128xf32>
    %get3A_90 = arith.constant 0 : index
    %get3A_91 = arith.constant 0 : index
    %get3A_92 = vector.load %arg13[%get3A_90, %get3A_91] : memref<128x128xf32, #tpu.memory_space<vmem>>, vector<128x128xf32>
    %dot_general3A_93 = arith.constant dense<0.000000e+00> : vector<2000x128xf32>
    %dot_general3A_94 = tpu.matmul %get3A_89, %get3A_92, %dot_general3A_93 {dimension_numbers = #tpu.dot_dimension_numbers<[1], [0], [0], [1], [0, 0, 1, 1], [], []>, transpose_lhs_hint = false} : vector<2000x128xf32>, vector<128x128xf32>, vector<2000x128xf32> -> vector<2000x128xf32>
    %add3A_95 = arith.addf %dot_general3A_86, %dot_general3A_94 : vector<2000x128xf32>
    %get3A_96 = arith.constant 0 : index
    %get3A_97 = arith.constant 0 : index
    %get3A_98 = vector.load %arg14[%get3A_96, %get3A_97] : memref<1x128xf32, #tpu.memory_space<vmem>>, vector<1x128xf32>
    %add3A_99 = vector.broadcast %get3A_98 : vector<1x128xf32> to vector<2000x128xf32>
    %add3A_100 = arith.addf %add3A_95, %add3A_99 : vector<2000x128xf32>
    %reduce_sum3A_101 = arith.constant dense<0.000000e+00> : vector<2000xf32>
    %reduce_sum3A_102 = vector.multi_reduction <add>, %add3A_100, %reduce_sum3A_101 [1] : vector<2000x128xf32> to vector<2000xf32>
    %broadcast_in_dim3A_103 = vector.shape_cast %reduce_sum3A_102 : vector<2000xf32> to vector<2000x1xf32>
    %div3A_104 = arith.constant 1.280000e+02 : f32
    %div3A_105 = vector.broadcast %div3A_104 : f32 to vector<2000x1xf32>
    %div3A_106 = arith.divf %broadcast_in_dim3A_103, %div3A_105 : vector<2000x1xf32>
    %sub3A_107 = vector.broadcast %div3A_106 : vector<2000x1xf32> to vector<2000x128xf32>
    %sub3A_108 = arith.subf %add3A_100, %sub3A_107 : vector<2000x128xf32>
    %sub3A_109 = vector.broadcast %div3A_106 : vector<2000x1xf32> to vector<2000x128xf32>
    %sub3A_110 = arith.subf %add3A_100, %sub3A_109 : vector<2000x128xf32>
    %mul3A_111 = arith.mulf %sub3A_108, %sub3A_110 : vector<2000x128xf32>
    %reduce_sum3A_112 = arith.constant dense<0.000000e+00> : vector<2000xf32>
    %reduce_sum3A_113 = vector.multi_reduction <add>, %mul3A_111, %reduce_sum3A_112 [1] : vector<2000x128xf32> to vector<2000xf32>
    %broadcast_in_dim3A_114 = vector.shape_cast %reduce_sum3A_113 : vector<2000xf32> to vector<2000x1xf32>
    %div3A_115 = arith.constant 1.280000e+02 : f32
    %div3A_116 = vector.broadcast %div3A_115 : f32 to vector<2000x1xf32>
    %div3A_117 = arith.divf %broadcast_in_dim3A_114, %div3A_116 : vector<2000x1xf32>
    %sub3A_118 = vector.broadcast %div3A_106 : vector<2000x1xf32> to vector<2000x128xf32>
    %sub3A_119 = arith.subf %add3A_100, %sub3A_118 : vector<2000x128xf32>
    %add3A_120 = arith.constant 9.99999974E-6 : f32
    %add3A_121 = vector.broadcast %add3A_120 : f32 to vector<2000x1xf32>
    %add3A_122 = arith.addf %div3A_117, %add3A_121 : vector<2000x1xf32>
    %rsqrt3A_123 = math.rsqrt %add3A_122 : vector<2000x1xf32>
    %mul3A_124 = vector.broadcast %rsqrt3A_123 : vector<2000x1xf32> to vector<2000x128xf32>
    %mul3A_125 = arith.mulf %sub3A_119, %mul3A_124 : vector<2000x128xf32>
    %get3A_126 = arith.constant 0 : index
    %get3A_127 = arith.constant 0 : index
    %get3A_128 = vector.load %arg15[%get3A_126, %get3A_127] : memref<1x128xf32, #tpu.memory_space<vmem>>, vector<1x128xf32>
    %mul3A_129 = vector.broadcast %get3A_128 : vector<1x128xf32> to vector<2000x128xf32>
    %mul3A_130 = arith.mulf %mul3A_125, %mul3A_129 : vector<2000x128xf32>
    %get3A_131 = arith.constant 0 : index
    %get3A_132 = arith.constant 0 : index
    %get3A_133 = vector.load %arg16[%get3A_131, %get3A_132] : memref<1x128xf32, #tpu.memory_space<vmem>>, vector<1x128xf32>
    %add3A_134 = vector.broadcast %get3A_133 : vector<1x128xf32> to vector<2000x128xf32>
    %add3A_135 = arith.addf %mul3A_130, %add3A_134 : vector<2000x128xf32>
    %max3A_136 = arith.constant 0.000000e+00 : f32
    %max3A_137 = vector.broadcast %max3A_136 : f32 to vector<2000x128xf32>
    %max3A_138 = arith.maximumf %add3A_135, %max3A_137 : vector<2000x128xf32>
    %get3A_139 = arith.constant 0 : index
    %get3A_140 = arith.constant 0 : index
    %get3A_141 = vector.load %arg7[%get3A_139, %get3A_140] : memref<2000x128xf32, #tpu.memory_space<vmem>>, vector<2000x128xf32>
    %add3A_142 = arith.addf %max3A_138, %get3A_141 : vector<2000x128xf32>
    %swap3A_143 = arith.constant 0 : index
    %swap3A_144 = arith.constant 0 : index
    %swap3A_145 = vector.load %arg19[%swap3A_143, %swap3A_144] : memref<2000x128xf32, #tpu.memory_space<vmem>>, vector<2000x128xf32>
    tpu.vector_store %arg19[%swap3A_143, %swap3A_144], %add3A_142 {strides = array<i32>} : memref<2000x128xf32, #tpu.memory_space<vmem>>, vector<2000x128xf32>,
    return
  }
  func.func @transform_0(%arg0: i32) -> (i32, i32) {
    %c0_i32 = arith.constant 0 : i32
    %c0_i32_0 = arith.constant 0 : i32
    return %arg0, %c0_i32 : i32, i32
  }
  func.func @transform_1(%arg0: i32) -> (i32, i32) {
    %c0_i32 = arith.constant 0 : i32
    %c0_i32_0 = arith.constant 0 : i32
    return %arg0, %c0_i32 : i32, i32
  }
  func.func @transform_2(%arg0: i32) -> (i32, i32) {
    %c0_i32 = arith.constant 0 : i32
    %c0_i32_0 = arith.constant 0 : i32
    return %arg0, %c0_i32 : i32, i32
  }
  func.func @transform_3(%arg0: i32) -> (i32, i32) {
    %c0_i32 = arith.constant 0 : i32
    %c0_i32_0 = arith.constant 0 : i32
    return %arg0, %c0_i32 : i32, i32
  }
  func.func @transform_4(%arg0: i32) -> (i32, i32) {
    %c0_i32 = arith.constant 0 : i32
    %c0_i32_0 = arith.constant 0 : i32
    return %arg0, %c0_i32 : i32, i32
  }
  func.func @transform_5(%arg0: i32) -> (i32, i32) {
    %c0_i32 = arith.constant 0 : i32
    %c0_i32_0 = arith.constant 0 : i32
    return %arg0, %c0_i32 : i32, i32
  }
  func.func @transform_6(%arg0: i32) -> (i32, i32) {
    %c0_i32 = arith.constant 0 : i32
    %c0_i32_0 = arith.constant 0 : i32
    return %arg0, %c0_i32 : i32, i32
  }
  func.func @transform_7(%arg0: i32) -> (i32, i32) {
    %c0_i32 = arith.constant 0 : i32
    %c0_i32_0 = arith.constant 0 : i32
    return %arg0, %c0_i32 : i32, i32
  }
  func.func @transform_8(%arg0: i32) -> (i32, i32) {
    %c0_i32 = arith.constant 0 : i32
    %c0_i32_0 = arith.constant 0 : i32
    %c0_i32_1 = arith.constant 0 : i32
    return %c0_i32, %c0_i32_0 : i32, i32
  }
  func.func @transform_9(%arg0: i32) -> (i32, i32) {
    %c0_i32 = arith.constant 0 : i32
    %c0_i32_0 = arith.constant 0 : i32
    %c0_i32_1 = arith.constant 0 : i32
    return %c0_i32, %c0_i32_0 : i32, i32
  }
  func.func @transform_10(%arg0: i32) -> (i32, i32) {
    %c0_i32 = arith.constant 0 : i32
    %c0_i32_0 = arith.constant 0 : i32
    %c0_i32_1 = arith.constant 0 : i32
    return %c0_i32, %c0_i32_0 : i32, i32
  }
  func.func @transform_11(%arg0: i32) -> (i32, i32) {
    %c0_i32 = arith.constant 0 : i32
    %c0_i32_0 = arith.constant 0 : i32
    %c0_i32_1 = arith.constant 0 : i32
    return %c0_i32, %c0_i32_0 : i32, i32
  }
  func.func @transform_12(%arg0: i32) -> (i32, i32) {
    %c0_i32 = arith.constant 0 : i32
    %c0_i32_0 = arith.constant 0 : i32
    %c0_i32_1 = arith.constant 0 : i32
    return %c0_i32, %c0_i32_0 : i32, i32
  }
  func.func @transform_13(%arg0: i32) -> (i32, i32) {
    %c0_i32 = arith.constant 0 : i32
    %c0_i32_0 = arith.constant 0 : i32
    %c0_i32_1 = arith.constant 0 : i32
    return %c0_i32, %c0_i32_0 : i32, i32
  }
  func.func @transform_14(%arg0: i32) -> (i32, i32) {
    %c0_i32 = arith.constant 0 : i32
    %c0_i32_0 = arith.constant 0 : i32
    %c0_i32_1 = arith.constant 0 : i32
    return %c0_i32, %c0_i32_0 : i32, i32
  }
  func.func @transform_15(%arg0: i32) -> (i32, i32) {
    %c0_i32 = arith.constant 0 : i32
    %c0_i32_0 = arith.constant 0 : i32
    %c0_i32_1 = arith.constant 0 : i32
    return %c0_i32, %c0_i32_0 : i32, i32
  }
  func.func @transform_16(%arg0: i32) -> (i32, i32) {
    %c0_i32 = arith.constant 0 : i32
    %c0_i32_0 = arith.constant 0 : i32
    %c0_i32_1 = arith.constant 0 : i32
    return %c0_i32, %c0_i32_0 : i32, i32
  }
  func.func @transform_17(%arg0: i32) -> (i32, i32) {
    %c0_i32 = arith.constant 0 : i32
    %c0_i32_0 = arith.constant 0 : i32
    %c0_i32_1 = arith.constant 0 : i32
    return %c0_i32, %c0_i32_0 : i32, i32
  }
  func.func @transform_18(%arg0: i32) -> (i32, i32) {
    %c0_i32 = arith.constant 0 : i32
    %c0_i32_0 = arith.constant 0 : i32
    return %arg0, %c0_i32 : i32, i32
  }
  func.func @transform_19(%arg0: i32) -> (i32, i32) {
    %c0_i32 = arith.constant 0 : i32
    %c0_i32_0 = arith.constant 0 : i32
    return %arg0, %c0_i32 : i32, i32
  }
}

module attributes {stable_mosaic.version = 14 : i64} {
  func.func @body(%arg0: i32, %arg1: memref<2000x128xf32, #tpu.memory_space<vmem>>, %arg2: memref<2000x128xf32, #tpu.memory_space<vmem>>, %arg3: memref<2000x128xf32, #tpu.memory_space<vmem>>, %arg4: memref<2000x128xf32, #tpu.memory_space<vmem>>, %arg5: memref<2000x128xf32, #tpu.memory_space<vmem>>, %arg6: memref<2000x128xf32, #tpu.memory_space<vmem>>, %arg7: memref<2000x128xf32, #tpu.memory_space<vmem>>, %arg8: memref<2000x128xf32, #tpu.memory_space<vmem>>, %arg9: memref<128x128xf32, #tpu.memory_space<vmem>>, %arg10: memref<128x128xf32, #tpu.memory_space<vmem>>, %arg11: memref<1x128xf32, #tpu.memory_space<vmem>>, %arg12: memref<128x128xf32, #tpu.memory_space<vmem>>, %arg13: memref<128x128xf32, #tpu.memory_space<vmem>>, %arg14: memref<1x128xf32, #tpu.memory_space<vmem>>, %arg15: memref<1x128xf32, #tpu.memory_space<vmem>>, %arg16: memref<1x128xf32, #tpu.memory_space<vmem>>, %arg17: memref<1x128xf32, #tpu.memory_space<vmem>>, %arg18: memref<1x128xf32, #tpu.memory_space<vmem>>, %arg19: memref<2000x128xf32, #tpu.memory_space<vmem>>, %arg20: memref<2000x128xf32, #tpu.memory_space<vmem>>) attributes {dimension_semantics = [#tpu.dimension_semantics<arbitrary>], iteration_bounds = array<i64: 5>, scalar_prefetch = 0 : i64, scratch_operands = 0 : i64, tpu.core_type = #tpu.core_type<tc>, window_params = [{transform_indices = @transform_0, window_bounds = array<i64: 2000, 128>}, {transform_indices = @transform_1, window_bounds = array<i64: 2000, 128>}, {transform_indices = @transform_2, window_bounds = array<i64: 2000, 128>}, {transform_indices = @transform_3, window_bounds = array<i64: 2000, 128>}, {transform_indices = @transform_4, window_bounds = array<i64: 2000, 128>}, {transform_indices = @transform_5, window_bounds = array<i64: 2000, 128>}, {transform_indices = @transform_6, window_bounds = array<i64: 2000, 128>}, {transform_indices = @transform_7, window_bounds = array<i64: 2000, 128>}, {pipeline_mode = #tpu.pipeline_mode<synchronous>, transform_indices = @transform_8, window_bounds = array<i64: 128, 128>}, {pipeline_mode = #tpu.pipeline_mode<synchronous>, transform_indices = @transform_9, window_bounds = array<i64: 128, 128>}, {pipeline_mode = #tpu.pipeline_mode<synchronous>, transform_indices = @transform_10, window_bounds = array<i64: 1, 128>}, {pipeline_mode = #tpu.pipeline_mode<synchronous>, transform_indices = @transform_11, window_bounds = array<i64: 128, 128>}, {pipeline_mode = #tpu.pipeline_mode<synchronous>, transform_indices = @transform_12, window_bounds = array<i64: 128, 128>}, {pipeline_mode = #tpu.pipeline_mode<synchronous>, transform_indices = @transform_13, window_bounds = array<i64: 1, 128>}, {pipeline_mode = #tpu.pipeline_mode<synchronous>, transform_indices = @transform_14, window_bounds = array<i64: 1, 128>}, {pipeline_mode = #tpu.pipeline_mode<synchronous>, transform_indices = @transform_15, window_bounds = array<i64: 1, 128>}, {pipeline_mode = #tpu.pipeline_mode<synchronous>, transform_indices = @transform_16, window_bounds = array<i64: 1, 128>}, {pipeline_mode = #tpu.pipeline_mode<synchronous>, transform_indices = @transform_17, window_bounds = array<i64: 1, 128>}, {transform_indices = @transform_18, window_bounds = array<i64: 2000, 128>}, {transform_indices = @transform_19, window_bounds = array<i64: 2000, 128>}]} {
    %get3A = arith.constant 0 : index
    %get3A_0 = arith.constant 0 : index
    %get3A_1 = vector.load %arg3[%get3A, %get3A_0] : memref<2000x128xf32, #tpu.memory_space<vmem>>, vector<2000x128xf32>
    %slice3A = vector.extract_strided_slice %get3A_1 {offsets = [0, 0], sizes = [2000, 1], strides = [1, 1]} : vector<2000x128xf32> to vector<2000x1xf32>
    %get3A_2 = arith.constant 0 : index
    %get3A_3 = arith.constant 0 : index
    %get3A_4 = vector.load %arg1[%get3A_2, %get3A_3] : memref<2000x128xf32, #tpu.memory_space<vmem>>, vector<2000x128xf32>
    %max3A = arith.constant 1.000000e+00 : f32
    %max3A_5 = vector.broadcast %max3A : f32 to vector<2000x1xf32>
    %max3A_6 = arith.maximumf %slice3A, %max3A_5 : vector<2000x1xf32>
    %div3A = arith.constant 1.000000e+00 : f32
    %div3A_7 = vector.broadcast %div3A : f32 to vector<2000x1xf32>
    %div3A_8 = arith.divf %div3A_7, %max3A_6 : vector<2000x1xf32>
    %mul3A = vector.broadcast %div3A_8 : vector<2000x1xf32> to vector<2000x128xf32>
    %mul3A_9 = arith.mulf %get3A_4, %mul3A : vector<2000x128xf32>
    %get3A_10 = arith.constant 0 : index
    %get3A_11 = arith.constant 0 : index
    %get3A_12 = vector.load %arg9[%get3A_10, %get3A_11] : memref<128x128xf32, #tpu.memory_space<vmem>>, vector<128x128xf32>
    %dot_general3A = arith.constant dense<0.000000e+00> : vector<2000x128xf32>
    %dot_general3A_13 = tpu.matmul %mul3A_9, %get3A_12, %dot_general3A {dimension_numbers = #tpu.dot_dimension_numbers<[1], [0], [0], [1], [0, 0, 1, 1], [], []>, transpose_lhs_hint = false} : vector<2000x128xf32>, vector<128x128xf32>, vector<2000x128xf32> -> vector<2000x128xf32>
    %get3A_14 = arith.constant 0 : index
    %get3A_15 = arith.constant 0 : index
    %get3A_16 = vector.load %arg6[%get3A_14, %get3A_15] : memref<2000x128xf32, #tpu.memory_space<vmem>>, vector<2000x128xf32>
    %get3A_17 = arith.constant 0 : index
    %get3A_18 = arith.constant 0 : index
    %get3A_19 = vector.load %arg10[%get3A_17, %get3A_18] : memref<128x128xf32, #tpu.memory_space<vmem>>, vector<128x128xf32>
    %dot_general3A_20 = arith.constant dense<0.000000e+00> : vector<2000x128xf32>
    %dot_general3A_21 = tpu.matmul %get3A_16, %get3A_19, %dot_general3A_20 {dimension_numbers = #tpu.dot_dimension_numbers<[1], [0], [0], [1], [0, 0, 1, 1], [], []>, transpose_lhs_hint = false} : vector<2000x128xf32>, vector<128x128xf32>, vector<2000x128xf32> -> vector<2000x128xf32>
    %add3A = arith.addf %dot_general3A_13, %dot_general3A_21 : vector<2000x128xf32>
    %get3A_22 = arith.constant 0 : index
    %get3A_23 = arith.constant 0 : index
    %get3A_24 = vector.load %arg11[%get3A_22, %get3A_23] : memref<1x128xf32, #tpu.memory_space<vmem>>, vector<1x128xf32>
    %add3A_25 = vector.broadcast %get3A_24 : vector<1x128xf32> to vector<2000x128xf32>
    %add3A_26 = arith.addf %add3A, %add3A_25 : vector<2000x128xf32>
    %reduce_sum3A = arith.constant dense<0.000000e+00> : vector<2000xf32>
    %reduce_sum3A_27 = vector.multi_reduction <add>, %add3A_26, %reduce_sum3A [1] : vector<2000x128xf32> to vector<2000xf32>
    %broadcast_in_dim3A = vector.shape_cast %reduce_sum3A_27 : vector<2000xf32> to vector<2000x1xf32>
    %div3A_28 = arith.constant 1.280000e+02 : f32
    %div3A_29 = vector.broadcast %div3A_28 : f32 to vector<2000x1xf32>
    %div3A_30 = arith.divf %broadcast_in_dim3A, %div3A_29 : vector<2000x1xf32>
    %sub3A = vector.broadcast %div3A_30 : vector<2000x1xf32> to vector<2000x128xf32>
    %sub3A_31 = arith.subf %add3A_26, %sub3A : vector<2000x128xf32>
    %sub3A_32 = vector.broadcast %div3A_30 : vector<2000x1xf32> to vector<2000x128xf32>
    %sub3A_33 = arith.subf %add3A_26, %sub3A_32 : vector<2000x128xf32>
    %mul3A_34 = arith.mulf %sub3A_31, %sub3A_33 : vector<2000x128xf32>
    %reduce_sum3A_35 = arith.constant dense<0.000000e+00> : vector<2000xf32>
    %reduce_sum3A_36 = vector.multi_reduction <add>, %mul3A_34, %reduce_sum3A_35 [1] : vector<2000x128xf32> to vector<2000xf32>
    %broadcast_in_dim3A_37 = vector.shape_cast %reduce_sum3A_36 : vector<2000xf32> to vector<2000x1xf32>
    %div3A_38 = arith.constant 1.280000e+02 : f32
    %div3A_39 = vector.broadcast %div3A_38 : f32 to vector<2000x1xf32>
    %div3A_40 = arith.divf %broadcast_in_dim3A_37, %div3A_39 : vector<2000x1xf32>
    %sub3A_41 = vector.broadcast %div3A_30 : vector<2000x1xf32> to vector<2000x128xf32>
    %sub3A_42 = arith.subf %add3A_26, %sub3A_41 : vector<2000x128xf32>
    %add3A_43 = arith.constant 9.99999974E-6 : f32
    %add3A_44 = vector.broadcast %add3A_43 : f32 to vector<2000x1xf32>
    %add3A_45 = arith.addf %div3A_40, %add3A_44 : vector<2000x1xf32>
    %rsqrt3A = math.rsqrt %add3A_45 : vector<2000x1xf32>
    %mul3A_46 = vector.broadcast %rsqrt3A : vector<2000x1xf32> to vector<2000x128xf32>
    %mul3A_47 = arith.mulf %sub3A_42, %mul3A_46 : vector<2000x128xf32>
    %get3A_48 = arith.constant 0 : index
    %get3A_49 = arith.constant 0 : index
    %get3A_50 = vector.load %arg17[%get3A_48, %get3A_49] : memref<1x128xf32, #tpu.memory_space<vmem>>, vector<1x128xf32>
    %mul3A_51 = vector.broadcast %get3A_50 : vector<1x128xf32> to vector<2000x128xf32>
    %mul3A_52 = arith.mulf %mul3A_47, %mul3A_51 : vector<2000x128xf32>
    %get3A_53 = arith.constant 0 : index
    %get3A_54 = arith.constant 0 : index
    %get3A_55 = vector.load %arg18[%get3A_53, %get3A_54] : memref<1x128xf32, #tpu.memory_space<vmem>>, vector<1x128xf32>
    %add3A_56 = vector.broadcast %get3A_55 : vector<1x128xf32> to vector<2000x128xf32>
    %add3A_57 = arith.addf %mul3A_52, %add3A_56 : vector<2000x128xf32>
    %max3A_58 = arith.constant 0.000000e+00 : f32
    %max3A_59 = vector.broadcast %max3A_58 : f32 to vector<2000x128xf32>
    %max3A_60 = arith.maximumf %add3A_57, %max3A_59 : vector<2000x128xf32>
    %swap3A = arith.constant 0 : index
    %swap3A_61 = arith.constant 0 : index
    %swap3A_62 = vector.load %arg20[%swap3A, %swap3A_61] : memref<2000x128xf32, #tpu.memory_space<vmem>>, vector<2000x128xf32>
    tpu.vector_store %arg20[%swap3A, %swap3A_61], %max3A_60 {strides = array<i32>} : memref<2000x128xf32, #tpu.memory_space<vmem>>, vector<2000x128xf32>,
    %get3A_63 = arith.constant 0 : index
    %get3A_64 = arith.constant 0 : index
    %get3A_65 = vector.load %arg4[%get3A_63, %get3A_64] : memref<2000x128xf32, #tpu.memory_space<vmem>>, vector<2000x128xf32>
    %slice3A_66 = vector.extract_strided_slice %get3A_65 {offsets = [0, 0], sizes = [2000, 1], strides = [1, 1]} : vector<2000x128xf32> to vector<2000x1xf32>
    %get3A_67 = arith.constant 0 : index
    %get3A_68 = arith.constant 0 : index
    %get3A_69 = vector.load %arg2[%get3A_67, %get3A_68] : memref<2000x128xf32, #tpu.memory_space<vmem>>, vector<2000x128xf32>
    %max3A_70 = arith.constant 1.000000e+00 : f32
    %max3A_71 = vector.broadcast %max3A_70 : f32 to vector<2000x1xf32>
    %max3A_72 = arith.maximumf %slice3A_66, %max3A_71 : vector<2000x1xf32>
    %div3A_73 = arith.constant 1.000000e+00 : f32
    %div3A_74 = vector.broadcast %div3A_73 : f32 to vector<2000x1xf32>
    %div3A_75 = arith.divf %div3A_74, %max3A_72 : vector<2000x1xf32>
    %mul3A_76 = vector.broadcast %div3A_75 : vector<2000x1xf32> to vector<2000x128xf32>
    %mul3A_77 = arith.mulf %get3A_69, %mul3A_76 : vector<2000x128xf32>
    %get3A_78 = arith.constant 0 : index
    %get3A_79 = arith.constant 0 : index
    %get3A_80 = vector.load %arg12[%get3A_78, %get3A_79] : memref<128x128xf32, #tpu.memory_space<vmem>>, vector<128x128xf32>
    %dot_general3A_81 = arith.constant dense<0.000000e+00> : vector<2000x128xf32>
    %dot_general3A_82 = tpu.matmul %mul3A_77, %get3A_80, %dot_general3A_81 {dimension_numbers = #tpu.dot_dimension_numbers<[1], [0], [0], [1], [0, 0, 1, 1], [], []>, transpose_lhs_hint = false} : vector<2000x128xf32>, vector<128x128xf32>, vector<2000x128xf32> -> vector<2000x128xf32>
    %get3A_83 = arith.constant 0 : index
    %get3A_84 = arith.constant 0 : index
    %get3A_85 = vector.load %arg5[%get3A_83, %get3A_84] : memref<2000x128xf32, #tpu.memory_space<vmem>>, vector<2000x128xf32>
    %get3A_86 = arith.constant 0 : index
    %get3A_87 = arith.constant 0 : index
    %get3A_88 = vector.load %arg13[%get3A_86, %get3A_87] : memref<128x128xf32, #tpu.memory_space<vmem>>, vector<128x128xf32>
    %dot_general3A_89 = arith.constant dense<0.000000e+00> : vector<2000x128xf32>
    %dot_general3A_90 = tpu.matmul %get3A_85, %get3A_88, %dot_general3A_89 {dimension_numbers = #tpu.dot_dimension_numbers<[1], [0], [0], [1], [0, 0, 1, 1], [], []>, transpose_lhs_hint = false} : vector<2000x128xf32>, vector<128x128xf32>, vector<2000x128xf32> -> vector<2000x128xf32>
    %add3A_91 = arith.addf %dot_general3A_82, %dot_general3A_90 : vector<2000x128xf32>
    %get3A_92 = arith.constant 0 : index
    %get3A_93 = arith.constant 0 : index
    %get3A_94 = vector.load %arg14[%get3A_92, %get3A_93] : memref<1x128xf32, #tpu.memory_space<vmem>>, vector<1x128xf32>
    %add3A_95 = vector.broadcast %get3A_94 : vector<1x128xf32> to vector<2000x128xf32>
    %add3A_96 = arith.addf %add3A_91, %add3A_95 : vector<2000x128xf32>
    %reduce_sum3A_97 = arith.constant dense<0.000000e+00> : vector<2000xf32>
    %reduce_sum3A_98 = vector.multi_reduction <add>, %add3A_96, %reduce_sum3A_97 [1] : vector<2000x128xf32> to vector<2000xf32>
    %broadcast_in_dim3A_99 = vector.shape_cast %reduce_sum3A_98 : vector<2000xf32> to vector<2000x1xf32>
    %div3A_100 = arith.constant 1.280000e+02 : f32
    %div3A_101 = vector.broadcast %div3A_100 : f32 to vector<2000x1xf32>
    %div3A_102 = arith.divf %broadcast_in_dim3A_99, %div3A_101 : vector<2000x1xf32>
    %sub3A_103 = vector.broadcast %div3A_102 : vector<2000x1xf32> to vector<2000x128xf32>
    %sub3A_104 = arith.subf %add3A_96, %sub3A_103 : vector<2000x128xf32>
    %sub3A_105 = vector.broadcast %div3A_102 : vector<2000x1xf32> to vector<2000x128xf32>
    %sub3A_106 = arith.subf %add3A_96, %sub3A_105 : vector<2000x128xf32>
    %mul3A_107 = arith.mulf %sub3A_104, %sub3A_106 : vector<2000x128xf32>
    %reduce_sum3A_108 = arith.constant dense<0.000000e+00> : vector<2000xf32>
    %reduce_sum3A_109 = vector.multi_reduction <add>, %mul3A_107, %reduce_sum3A_108 [1] : vector<2000x128xf32> to vector<2000xf32>
    %broadcast_in_dim3A_110 = vector.shape_cast %reduce_sum3A_109 : vector<2000xf32> to vector<2000x1xf32>
    %div3A_111 = arith.constant 1.280000e+02 : f32
    %div3A_112 = vector.broadcast %div3A_111 : f32 to vector<2000x1xf32>
    %div3A_113 = arith.divf %broadcast_in_dim3A_110, %div3A_112 : vector<2000x1xf32>
    %sub3A_114 = vector.broadcast %div3A_102 : vector<2000x1xf32> to vector<2000x128xf32>
    %sub3A_115 = arith.subf %add3A_96, %sub3A_114 : vector<2000x128xf32>
    %add3A_116 = arith.constant 9.99999974E-6 : f32
    %add3A_117 = vector.broadcast %add3A_116 : f32 to vector<2000x1xf32>
    %add3A_118 = arith.addf %div3A_113, %add3A_117 : vector<2000x1xf32>
    %rsqrt3A_119 = math.rsqrt %add3A_118 : vector<2000x1xf32>
    %mul3A_120 = vector.broadcast %rsqrt3A_119 : vector<2000x1xf32> to vector<2000x128xf32>
    %mul3A_121 = arith.mulf %sub3A_115, %mul3A_120 : vector<2000x128xf32>
    %get3A_122 = arith.constant 0 : index
    %get3A_123 = arith.constant 0 : index
    %get3A_124 = vector.load %arg15[%get3A_122, %get3A_123] : memref<1x128xf32, #tpu.memory_space<vmem>>, vector<1x128xf32>
    %mul3A_125 = vector.broadcast %get3A_124 : vector<1x128xf32> to vector<2000x128xf32>
    %mul3A_126 = arith.mulf %mul3A_121, %mul3A_125 : vector<2000x128xf32>
    %get3A_127 = arith.constant 0 : index
    %get3A_128 = arith.constant 0 : index
    %get3A_129 = vector.load %arg16[%get3A_127, %get3A_128] : memref<1x128xf32, #tpu.memory_space<vmem>>, vector<1x128xf32>
    %add3A_130 = vector.broadcast %get3A_129 : vector<1x128xf32> to vector<2000x128xf32>
    %add3A_131 = arith.addf %mul3A_126, %add3A_130 : vector<2000x128xf32>
    %max3A_132 = arith.constant 0.000000e+00 : f32
    %max3A_133 = vector.broadcast %max3A_132 : f32 to vector<2000x128xf32>
    %max3A_134 = arith.maximumf %add3A_131, %max3A_133 : vector<2000x128xf32>
    %swap3A_135 = arith.constant 0 : index
    %swap3A_136 = arith.constant 0 : index
    %swap3A_137 = vector.load %arg19[%swap3A_135, %swap3A_136] : memref<2000x128xf32, #tpu.memory_space<vmem>>, vector<2000x128xf32>
    tpu.vector_store %arg19[%swap3A_135, %swap3A_136], %max3A_134 {strides = array<i32>} : memref<2000x128xf32, #tpu.memory_space<vmem>>, vector<2000x128xf32>,
    return
  }
  func.func @transform_0(%arg0: i32) -> (i32, i32) {
    %c0_i32 = arith.constant 0 : i32
    %c0_i32_0 = arith.constant 0 : i32
    return %arg0, %c0_i32 : i32, i32
  }
  func.func @transform_1(%arg0: i32) -> (i32, i32) {
    %c0_i32 = arith.constant 0 : i32
    %c0_i32_0 = arith.constant 0 : i32
    return %arg0, %c0_i32 : i32, i32
  }
  func.func @transform_2(%arg0: i32) -> (i32, i32) {
    %c0_i32 = arith.constant 0 : i32
    %c0_i32_0 = arith.constant 0 : i32
    return %arg0, %c0_i32 : i32, i32
  }
  func.func @transform_3(%arg0: i32) -> (i32, i32) {
    %c0_i32 = arith.constant 0 : i32
    %c0_i32_0 = arith.constant 0 : i32
    return %arg0, %c0_i32 : i32, i32
  }
  func.func @transform_4(%arg0: i32) -> (i32, i32) {
    %c0_i32 = arith.constant 0 : i32
    %c0_i32_0 = arith.constant 0 : i32
    return %arg0, %c0_i32 : i32, i32
  }
  func.func @transform_5(%arg0: i32) -> (i32, i32) {
    %c0_i32 = arith.constant 0 : i32
    %c0_i32_0 = arith.constant 0 : i32
    return %arg0, %c0_i32 : i32, i32
  }
  func.func @transform_6(%arg0: i32) -> (i32, i32) {
    %c0_i32 = arith.constant 0 : i32
    %c0_i32_0 = arith.constant 0 : i32
    return %arg0, %c0_i32 : i32, i32
  }
  func.func @transform_7(%arg0: i32) -> (i32, i32) {
    %c0_i32 = arith.constant 0 : i32
    %c0_i32_0 = arith.constant 0 : i32
    return %arg0, %c0_i32 : i32, i32
  }
  func.func @transform_8(%arg0: i32) -> (i32, i32) {
    %c0_i32 = arith.constant 0 : i32
    %c0_i32_0 = arith.constant 0 : i32
    %c0_i32_1 = arith.constant 0 : i32
    return %c0_i32, %c0_i32_0 : i32, i32
  }
  func.func @transform_9(%arg0: i32) -> (i32, i32) {
    %c0_i32 = arith.constant 0 : i32
    %c0_i32_0 = arith.constant 0 : i32
    %c0_i32_1 = arith.constant 0 : i32
    return %c0_i32, %c0_i32_0 : i32, i32
  }
  func.func @transform_10(%arg0: i32) -> (i32, i32) {
    %c0_i32 = arith.constant 0 : i32
    %c0_i32_0 = arith.constant 0 : i32
    %c0_i32_1 = arith.constant 0 : i32
    return %c0_i32, %c0_i32_0 : i32, i32
  }
  func.func @transform_11(%arg0: i32) -> (i32, i32) {
    %c0_i32 = arith.constant 0 : i32
    %c0_i32_0 = arith.constant 0 : i32
    %c0_i32_1 = arith.constant 0 : i32
    return %c0_i32, %c0_i32_0 : i32, i32
  }
  func.func @transform_12(%arg0: i32) -> (i32, i32) {
    %c0_i32 = arith.constant 0 : i32
    %c0_i32_0 = arith.constant 0 : i32
    %c0_i32_1 = arith.constant 0 : i32
    return %c0_i32, %c0_i32_0 : i32, i32
  }
  func.func @transform_13(%arg0: i32) -> (i32, i32) {
    %c0_i32 = arith.constant 0 : i32
    %c0_i32_0 = arith.constant 0 : i32
    %c0_i32_1 = arith.constant 0 : i32
    return %c0_i32, %c0_i32_0 : i32, i32
  }
  func.func @transform_14(%arg0: i32) -> (i32, i32) {
    %c0_i32 = arith.constant 0 : i32
    %c0_i32_0 = arith.constant 0 : i32
    %c0_i32_1 = arith.constant 0 : i32
    return %c0_i32, %c0_i32_0 : i32, i32
  }
  func.func @transform_15(%arg0: i32) -> (i32, i32) {
    %c0_i32 = arith.constant 0 : i32
    %c0_i32_0 = arith.constant 0 : i32
    %c0_i32_1 = arith.constant 0 : i32
    return %c0_i32, %c0_i32_0 : i32, i32
  }
  func.func @transform_16(%arg0: i32) -> (i32, i32) {
    %c0_i32 = arith.constant 0 : i32
    %c0_i32_0 = arith.constant 0 : i32
    %c0_i32_1 = arith.constant 0 : i32
    return %c0_i32, %c0_i32_0 : i32, i32
  }
  func.func @transform_17(%arg0: i32) -> (i32, i32) {
    %c0_i32 = arith.constant 0 : i32
    %c0_i32_0 = arith.constant 0 : i32
    %c0_i32_1 = arith.constant 0 : i32
    return %c0_i32, %c0_i32_0 : i32, i32
  }
  func.func @transform_18(%arg0: i32) -> (i32, i32) {
    %c0_i32 = arith.constant 0 : i32
    %c0_i32_0 = arith.constant 0 : i32
    return %arg0, %c0_i32 : i32, i32
  }
  func.func @transform_19(%arg0: i32) -> (i32, i32) {
    %c0_i32 = arith.constant 0 : i32
    %c0_i32_0 = arith.constant 0 : i32
    return %arg0, %c0_i32 : i32, i32
  }
}

</mosaic_0001>

<sc_bundles>
// kernel: kernel.11.cloned.1.call-start
scs
__scs_entry_jumppad:
0x0: {  	(pc) =	sbr.rel $0x88, $3  }
0x1: {  	(tag) =	ssettag $0x0;
	lr =	simm.s32 $0x1  }
0x2: {  	[smem:$0x3F84] =	sst lr;
	_ =	strace $0xD0000000  }
0x3: {  	_ = 	snop  }
0x4: {  	_ = 	snop  }
0x5: {  	_ = 	snop  }
0x6: {  	_ = 	snop  }
0x7: {  	_ = 	snop  }
__scs_overlays_trampoline_lowered:
0x8: {  	[smem:$0x3F93] =	sst s0  }
0x9: {  	[smem:$0x3F94] =	sst s1  }
0xa: {  	[smem:$0x3F95] =	sst s2  }
0xb: {  	[smem:$0x3F96] =	sst s3  }
0xc: {  	[smem:$0x3F97] =	sst s4  }
0xd: {  	[smem:$0x3F98] =	sst s5  }
0xe: {  	[smem:$0x3F99] =	sst s6  }
0xf: {  	[smem:$0x3F9A] =	sst s7  }
0x10: {  	[smem:$0x3F9B] =	sst s8  }
0x11: {  	[smem:$0x3F9C] =	sst s9;
	s0 =	simm.s32 @!p0 $0x0  }
0x12: {  	s1 =	sld [smem:$0x3F82];
	s0 =	simm.s32 @p0 $0x1  }
0x13: {  	[smem:$0x3F9D] =	sst s0;
	s0 =	simm.s32 @!p1 $0x0  }
0x14: {  	s2 =	sld [smem:$0x3F81];
	s0 =	simm.s32 @p1 $0x1  }
0x15: {  	[smem:$0x3F9E] =	sst s0;
	s0 =	simm.s32 @!p2 $0x0  }
0x16: {  	s3 =	sld [smem:$0x3FDB];
	s0 =	simm.s32 @p2 $0x1  }
0x17: {  	s4 =	simm.s32 $0x1BF5;
	[smem:$0x3FA0] =	sst s0  }
0x18: {  	s0 =	sld [smem:$0x3F83];
	_ =	swait.ge [sflag:s4], $0x0  }
0x19: {  	s7 =	sld [smem:$0x3F84]  }
0x1a: {  	s8 =	sadd.s32 $0xFFFFE003, lr  }
0x1b: {  	s9 =	sadd.s32 $0xFFFFFEF7, lr;
	s5 =	simm.s32 $0xFFFFFFFF;
	p2 =	slt.u32 s8, $0xFFFFF086  }
0x1c: {  	p1 =	slt.u32 s9, $0xF7A;
	s5 =	simm.s32 @!p2 $0x0  }
0x1d: {  	s5 =	simm.s32 @p1 $0x1;
	p0 =	seq.s32 s7, s2  }
0x1e: {  	s7 =	smul.u32 @!p0 $0xF7A, s2;
	p2 =	seq.s32 @!p0 s5, $0x0  }
0x1f: {  	s9 =	smul.u32 $0xF7A, s1;
	s8 =	simm.s32 @!p0 $0x1BF5;
	p2 =	por !p2, p0  }
0x20: {  	[sflag:s8] =	ssyncset.s32 @!p0 $0xFFFFF086;
	s6 =	sadd.s32 @!p0 s3, s7;
	s7 =	simm.s32 @!p0 $0x108  }
0x21: {  	s3 =	sadd.s32 s3, s9;
	s6 =	sadd.s32 @!p0 $0x88, s6;
	s7 =	simm.s32 @p2 $0x1082  }
0x22: {  	[simem:s7], [sflag:s8] =	dma.local @!p0 [hbm:s6], $0xF7A  }
0x23: {  	s9 =	sor.u32 $0xD0000000, s2;
	s6 =	simm.s32 $0x108;
	_ =	swait.ge @!p0 [sflag:s8], $0x0  }
0x24: {  	s3 =	sadd.s32 $0x88, s3;
	s6 =	simm.s32 @!p1 $0x1082;
	[sflag:s4] =	ssyncset.s32 $0xFFFFF086  }
0x25: {  	[simem:s6], [sflag:s4] =	dma.local [hbm:s3], $0xF7A  }
0x26: {  	[smem:$0x3F84] =	sst s1;
	(tag) =	ssettag s2;
	_ =	strace s9  }
0x27: {  	s1 =	sld [smem:$0x3F94]  }
0x28: {  	s2 =	sld [smem:$0x3F95]  }
0x29: {  	s4 =	sld [smem:$0x3F97]  }
0x2a: {  	p0 =	seq.s32 s5, $0x0;
	s5 =	sld [smem:$0x3F98]  }
0x2b: {  	s6 =	sld [smem:$0x3F99]  }
0x2c: {  	s7 =	sld [smem:$0x3F9A]  }
0x2d: {  	s3 =	simm.s32 $0x108;
	s8 =	sld [smem:$0x3F9B]  }
0x2e: {  	s3 =	simm.s32 @!p0 $0x1082;
	s9 =	sld [smem:$0x3F9C]  }
0x2f: {  	lr =	sadd.s32 s0, s3;
	s0 =	sld [smem:$0x3F93]  }
0x30: {  	s3 =	sld [smem:$0x3F96]  }
0x31: {  	[smem:$0x3F9F] =	sst s10  }
0x32: {  	s10 =	sld [smem:$0x3F9D];
	_ =	sdelay $0x3  }
0x33: {  	p0 =	seq.s32 s10, $0x1;
	s10 =	sld [smem:$0x3F9F];
	_ =	sdelay $0x3  }
0x34: {  	[smem:$0x3F9F] =	sst s10  }
0x35: {  	s10 =	sld [smem:$0x3F9E];
	_ =	sdelay $0x3  }
0x36: {  	p1 =	seq.s32 s10, $0x1;
	s10 =	sld [smem:$0x3F9F];
	_ =	sdelay $0x3  }
0x37: {  	[smem:$0x3F9F] =	sst s10  }
0x38: {  	s10 =	sld [smem:$0x3FA0]  }
0x39: {  	_ = 	snop;
	(pc) =	sbr.ind lr, $3  }
0x3a: {  	_ = 	snop  }
0x3b: {  	_ = 	snop  }
0x3c: {  	p2 =	seq.s32 s10, $0x1;
	s10 =	sld [smem:$0x3F9F]  }
0x3d: {  	_ =	shalt  }
0x3e: {  	_ =	shalt  }
0x3f: {  	_ =	shalt  }
0x40: {  	_ =	shalt  }
0x41: {  	_ =	shalt  }
0x42: {  	_ =	shalt  }
0x43: {  	_ =	shalt  }
0x44: {  	_ =	shalt  }
0x45: {  	_ =	shalt  }
0x46: {  	_ =	shalt  }
0x47: {  	_ =	shalt  }
0x48: {  	_ =	shalt  }
0x49: {  	_ =	shalt  }
0x4a: {  	_ =	shalt  }
0x4b: {  	_ =	shalt  }
0x4c: {  	_ =	shalt  }
0x4d: {  	_ =	shalt  }
0x4e: {  	_ =	shalt  }
0x4f: {  	_ =	shalt  }
0x50: {  	_ =	shalt  }
0x51: {  	_ =	shalt  }
0x52: {  	_ =	shalt  }
0x53: {  	_ =	shalt  }
0x54: {  	_ =	shalt  }
0x55: {  	_ =	shalt  }
0x56: {  	_ =	shalt  }
0x57: {  	_ =	shalt  }
0x58: {  	_ =	shalt  }
0x59: {  	_ =	shalt  }
0x5a: {  	_ =	shalt  }
0x5b: {  	_ =	shalt  }
0x5c: {  	_ =	shalt  }
0x5d: {  	_ =	shalt  }
0x5e: {  	_ =	shalt  }
0x5f: {  	_ =	shalt  }
0x60: {  	_ =	shalt  }
0x61: {  	_ =	shalt  }
0x62: {  	_ =	shalt  }
0x63: {  	_ =	shalt  }
0x64: {  	_ =	shalt  }
0x65: {  	_ =	shalt  }
0x66: {  	_ =	shalt  }
0x67: {  	_ =	shalt  }
0x68: {  	_ =	shalt  }
0x69: {  	_ =	shalt  }
0x6a: {  	_ =	shalt  }
0x6b: {  	_ =	shalt  }
0x6c: {  	_ =	shalt  }
0x6d: {  	_ =	shalt  }
0x6e: {  	_ =	shalt  }
0x6f: {  	_ =	shalt  }
0x70: {  	_ =	shalt  }
0x71: {  	_ =	shalt  }
0x72: {  	_ =	shalt  }
0x73: {  	_ =	shalt  }
0x74: {  	_ =	shalt  }
0x75: {  	_ =	shalt  }
0x76: {  	_ =	shalt  }
0x77: {  	_ =	shalt  }
0x78: {  	_ =	shalt  }
0x79: {  	_ =	shalt  }
0x7a: {  	_ =	shalt  }
0x7b: {  	_ =	shalt  }
0x7c: {  	_ =	shalt  }
0x7d: {  	_ =	shalt  }
0x7e: {  	_ =	shalt  }
0x7f: {  	_ =	shalt  }
0x80: {  	_ =	shalt  }
0x81: {  	_ =	shalt  }
0x82: {  	_ =	shalt  }
0x83: {  	_ =	shalt  }
0x84: {  	_ =	shalt  }
0x85: {  	_ =	shalt  }
0x86: {  	_ =	shalt  }
0x87: {  	_ =	shalt  }
.Lfunc_end0:
.L_simem_size_0:
called_computation.1_lowered:
.L_overlay_start_0:
0x88: {  	s2 =	sld [smem:$0x3FD9]  }
0x89: {  	s3 =	sld [smem:$0x3FFE];
	_ =	sdelay $0x1  }
0x8a: {  	s1 =	srdreg.scid  }
0x8b: {  	s0 =	sand.u32 $0x1, s1  }
0x8c: {  	s14 =	sshll.u32 s0, $0xA;
	s2 =	sadd.s32 s3, s2  }
0x8d: {  	s2 =	sadd.s32 s2, s14  }
0x8e: {  	[smem:$0x3FAB] =	sst s2  }
0x8f: {  	_ = 	snop  }
0x90: {  	s2 =	sld [smem:$0x3FD0];
	_ =	sdelay $0x2  }
0x91: {  	s15 =	simm.s32 $0xA;
	s4 =	simm.s32 $0x10  }
0x92: {  	[smem:s4], [sflag:s15] =	dma.local [hbm:s2], $0x1  }
0x93: {  	_ =	swait.eq [sflag:s15], $0x1  }
0x94: {  	[sflag:s15] =	ssyncset.done $0x0  }
0x95: {  	s16 =	sld [smem:$0x10];
	[sflag:s15] =	ssyncadd.s32 $0xFFFFFFFF  }
0x96: {  	s17 =	sld [smem:$0x11];
	(tm) =	ssettm $0x1  }
0x97: {  	s18 =	sld [smem:$0x3FFB];
	_ =	sdelay $0x3  }
0x98: {  	_ =	strace s18  }
0x99: {  	s4 =	sld [smem:$0x3FFC];
	_ =	sdelay $0x3  }
0x9a: {  	_ =	strace s4  }
0x9b: {  	s4 =	sld [smem:$0x3FFD];
	_ =	sdelay $0x3  }
0x9c: {  	_ =	strace s4  }
0x9d: {  	_ =	strace $0x8FFFFFFF  }
0x9e: {  	s19 =	sld [smem:$0x3FDB];
	_ =	sdelay $0x1  }
0x9f: {  	s5 =	simm.s32 $_scs_section_size  }
0xa0: {  	s6 =	simm.s32 $_size__tile_overlayer_lowered;
	s7 =	simm.s32 $_tile_overlayer_lowered  }
0xa1: {  	s22 =	simm.s32 $0x1BFF;
	s21 =	sshll.u32 s7, $0x1;
	s4 =	sadd.s32 s5, s19  }
0xa2: {  	s8 =	simm.s32 $0x0;
	s20 =	sshll.u32 s6, $0x1;
	s6 =	sadd.s32 s21, s4  }
0xa3: {  	[timem:s8], [sflag:s22] =	dma.local [hbm:s6], s20  }
0xa4: {  	_ =	swait.ge [sflag:s22], s20  }
0xa5: {  	s5 =	ssub.s32 $0x0, s20;
	[sflag:s22] =	ssyncset.done $0x0  }
0xa6: {  	[sflag:s22] =	ssyncadd.s32 s5;
	_ =	sdelay $0x1  }
0xa7: {  	s23 =	simm.s32 $0x1B8B  }
0xa8: {  	_ =	swait.ge [sflag:s23], $0x1  }
0xa9: {  	[sflag:s23] =	ssyncset.done $0x0  }
0xaa: {  	s25 =	simm.s32 $0x1B8E;
	s24 =	sld [smem:$0x3FFE];
	[sflag:s23] =	ssyncadd.s32 $0xFFFFFFFF  }
0xab: {  	s26 =	simm.s32 $execute0_lowered;
	[smem:$0x3FD2] =	sst s25  }
0xac: {  	s6 =	sshll.u32 s26, $0x1;
	_ =	strace $0x80000049;
	[dreg:$0x1] =	wrdreg $0xFFFFFFFF  }
0xad: {  	s28 =	simm.s32 $_size_execute0_lowered;
	s4 =	sadd.s32 s4, s6;
	[dreg:$0x0] =	wrdreg $0x0  }
0xae: {  	s6 =	sshll.u32 s28, $0x1;
	[dreg:$0x2] =	wrdreg s4  }
0xaf: {  	[dreg:$0x3] =	wrdreg s6  }
0xb0: {  	[dreg:$0x4] =	wrdreg $0xC0  }
0xb1: {  	_ =	task [dreg:s8], $0x5FFFF  }
0xb2: {  	[dreg:$0x1] =	wrdreg $0xFFFFFFFF  }
0xb3: {  	[dreg:$0x0] =	wrdreg $0x60  }
0xb4: {  	[dreg:$0x2] =	wrdreg s17  }
0xb5: {  	[dreg:$0x3] =	wrdreg s16  }
0xb6: {  	[dreg:$0x4] =	wrdreg s24  }
0xb7: {  	[dreg:$0x5] =	wrdreg $0x41000  }
0xb8: {  	[dreg:$0x6] =	wrdreg $0x9  }
0xb9: {  	_ =	task.clear_ibuf [dreg:s8], $0x7FFFF;
	_ =	strace $0x90000049  }
0xba: {  	s29 =	simm.s32 $0x9;
	_ =	strace $0x8000004B  }
0xbb: {  	_ =	swait.ge [sflag:s29], $0x1  }
0xbc: {  	[sflag:s29] =	ssyncadd.s32 $0xFFFFFFFF  }
0xbd: {  	_ =	strace $0x9000004B  }
0xbe: {  	_ =	sfence  }
0xbf: {  	s30 =	sld [smem:$0x0];
	_ =	sdelay $0x2  }
0xc0: {  	s31 =	sshll.u32 s1, $0xD;
	s1 =	sshrl.u32 s1, $0x2  }
0xc1: {  	s3 =	sand.u32 $0x4000, s31;
	s1 =	sadd.s32 s1, s30  }
0xc2: {  	s0 =	sor.u32 s3, s0;
	s1 =	sshll.u32 s1, $0x11  }
0xc3: {  	s0 =	sor.u32 s1, s0  }
0xc4: {  	s0 =	sadd.s32 $0x8F2B, s0  }
0xc5: {  	[sflag:s0] =	ssyncadd.remote.s32 $0x1  }
0xc6: {  	_ =	sfence.sel $0xFFFF  }
0xc7: {  	[dreg:$0x0] =	wrdreg $0xFFFFFFFF;
	(pc) =	sbr.abs _section_cstart, $3  }
0xc8: {  	[dreg:$0x1] =	wrdreg $0xFFFFFFFF  }
0xc9: {  	_ =	task.clear_ibuf [dreg:s8], $0x2FFFF;
	_ =	strace $0x9FFFFFFF  }
0xca: {  	(tm) =	ssettm $0x7FFFFFFF  }
0xcb: {  	_ =	shalt  }
tec
execute0_lowered:
.L_overlay_start_1:
0x0: {  	(tag) =	ssettag $0x1  }
0x1: {  	s1 =	rddreg [dreg:$0x0]  }
0x2: {  	s2 =	rddreg [dreg:$0x1]  }
0x3: {  	s8 =	rddreg [dreg:$0x2]  }
0x4: {  	s4 =	rddreg [dreg:$0x3]  }
0x5: {  	s0 =	rddreg [dreg:$0x4];
	s5 =	simm.s32 $0x0  }
0x6: {  	s3 =	stileid.u32;
	s7 =	srdreg.scid;
	s15 =	simm.s32 $0x2  }
0x7: {  	s16 =	simm.s32 $0x80;
	s17 =	simm.s32 $0x100;
	s18 =	simm.s32 $0x1  }
0x8: {  	s19 =	simm.s32 $0x0;
	[smem:$0x7FF] =	sst s5;
	s6 =	smul.u32 $0x13C0, s3  }
0x9: {  	s10 =	sand.u32 $0x1, s7;
	s9 =	smul.u32 $0x50000, s3;
	s7 =	sadd.s32 $0x80000, s8  }
0xa: {  	s11 =	ssub.s32 $0x2, s10;
	p0 =	seq.s32 s10, $0x1;
	s10 =	smul.u32 $0x2800, s3  }
.Ltmp0:
0xb: {  	s31 =	sshll.u32 s3, $0x6;
	_ =	strace $0x8000004A;
	(pc) =	sbr.rel .LBB2_1-.Ltmp0, $4  }
0xc: {  	s13 =	sadd.s32 s6, s8;
	s6 =	sadd.s32 $0x7D800, s8;
	s12 =	sshrl.u32 s11, $0x1  }
0xd: {  	s8 =	sadd.s32 $0xA8000, s8;
	s9 =	sshrl.u32 s9, $0x2;
	s11 =	ssub.s32 s11, s12  }
0xe: {  	s14 =	sadd.s32 s9, s4;
	s9 =	sor.u32 $0x1C02, s31;
	s12 =	sadd.s32 $0x56000, s13  }
0xf: {  	s13 =	sadd.s32 $0x69C00, s13;
	s11 =	smax.u32 s11, $0x1;
	s14 =	sshrl.u32 s14, $0x3  }
.LBB2_7:
0x10: {  	s20 =	sadd.s32 s20, s13;
	[sflag:s15] =	ssyncadd.s32 $0xFFFFC000  }
0x11: {  	[tilespmem:s5], [sflag:$0x2] =	stream.linear.gather [hbm4b:s20+s5], $0x100, $0x38;
	[tilespmem:$0x18100] =	vst v63  }
0x12: {  	_ =	swait.ge [sflag:s15], $0x100  }
0x13: {  	[sflag:s15] =	ssyncset.done $0x0  }
0x14: {  	[sflag:s15] =	ssyncadd.s32 $0xFFFFFF00  }
0x15: {  	[tilespmem:s17], [sflag:$0x1] =	stream.indirect.gather [hbm4b:s2+s16], $0x80, s5, s16, $0xb8;
	[tilespmem:$0x18100] =	vst v63  }
0x16: {  	_ =	swait.ge [sflag:s18], $0x4000  }
0x17: {  	[sflag:s18] =	ssyncset.done $0x0  }
0x18: {  	[sflag:s18] =	ssyncadd.s32 $0xFFFFC000  }
0x19: {  	[spmem:s4] =	stream.indirect.scatter.add.f32 [tilespmem:s17], [sflag:$0x2], $0x80, s16, s16, $0xb8;
	[tilespmem:$0x18100] =	vst v63  }
0x1a: {  	_ =	swait.ge [sflag:s15], $0x4000  }
0x1b: {  	[sflag:s15] =	ssyncset.done $0x0  }
0x1c: {  	s20 =	smov.u32 s8;
	[sflag:s15] =	ssyncadd.s32 $0xFFFFC000  }
.LBB2_8:
0x1d: {  	s19 =	sadd.s32 $0x1, s19  }
0x1e: {  	p1 =	sne.s32 s19, s11  }
.Ltmp1:
0x1f: {  	s20 =	sadd.s32 s20, s10;
	[bflag:$0x0] =	sbarrier.arrive $0xFFFF;
	(pc) =	sbr.rel @!p1 .LBB2_9-.Ltmp1, $4  }
0x20: {  	[hbm:s20], [sflag:s9] =	dma.local [spmem:s14], $0x2800  }
0x21: {  	_ =	swait.ge [sflag:s15], $0x2800  }
0x22: {  	[sflag:s15] =	ssyncset.done $0x0  }
0x23: {  	[sflag:s15] =	ssyncadd.s32 $0xFFFFD800  }
.LBB2_1:
0x24: {  	[spmem:s14], [sflag:s9] =	dma.local [hbm:s6], $0x2800  }
.Ltmp2:
0x25: {  	_ =	swait.ge [sflag:s15], $0x2800;
	(pc) =	sbr.rel @!p0 .LBB2_2-.Ltmp2, $3  }
0x26: {  	[sflag:s15] =	ssyncset.done $0x0  }
0x27: {  	[sflag:s15] =	ssyncadd.s32 $0xFFFFD800  }
0x28: {  	[bflag:$0x0] =	sbarrier.arrive $0xFFFF;
	_ =	sdelay $0x1  }
0x29: {  	s20 =	sadd.s32 $0x0, s13  }
0x2a: {  	[tilespmem:s5], [sflag:$0x2] =	stream.linear.gather [hbm4b:s20+s5], $0x100, $0x38;
	[tilespmem:$0x18100] =	vst v63  }
0x2b: {  	_ =	swait.ge [sflag:s15], $0x100  }
0x2c: {  	[sflag:s15] =	ssyncset.done $0x0  }
0x2d: {  	[sflag:s15] =	ssyncadd.s32 $0xFFFFFF00  }
0x2e: {  	[tilespmem:s17], [sflag:$0x1] =	stream.indirect.gather [hbm4b:s2+s16], $0x80, s5, s16, $0xb8;
	[tilespmem:$0x18100] =	vst v63  }
0x2f: {  	_ =	swait.ge [sflag:s18], $0x4000  }
0x30: {  	[sflag:s18] =	ssyncset.done $0x0  }
0x31: {  	[sflag:s18] =	ssyncadd.s32 $0xFFFFC000  }
0x32: {  	[spmem:s4] =	stream.indirect.scatter.add.f32 [tilespmem:s17], [sflag:$0x2], $0x80, s16, s16, $0xb8;
	[tilespmem:$0x18100] =	vst v63  }
0x33: {  	_ =	swait.ge [sflag:s15], $0x4000  }
0x34: {  	s21 =	simm.s32 $0x40;
	s20 =	simm.s32 $0x20;
	[sflag:s15] =	ssyncset.done $0x0  }
.LBB2_6:
0x35: {  	s22 =	sadd.s32 s20, s13  }
0x36: {  	[sflag:s15] =	ssyncadd.s32 $0xFFFFC000;
	s20 =	smov.u32 s21;
	s23 =	sadd.s32 $0x20, s21  }
0x37: {  	[tilespmem:s5], [sflag:$0x2] =	stream.linear.gather [hbm4b:s22+s5], $0x100, $0x38;
	[tilespmem:$0x18100] =	vst v63  }
0x38: {  	p1 =	sne.s32 s21, $0x13A0;
	_ =	swait.ge [sflag:s15], $0x100  }
0x39: {  	[sflag:s15] =	ssyncset.done $0x0  }
0x3a: {  	[sflag:s15] =	ssyncadd.s32 $0xFFFFFF00  }
0x3b: {  	[tilespmem:s17], [sflag:$0x1] =	stream.indirect.gather [hbm4b:s2+s16], $0x80, s5, s16, $0xb8;
	[tilespmem:$0x18100] =	vst v63  }
0x3c: {  	_ =	swait.ge [sflag:s18], $0x4000  }
.Ltmp3:
0x3d: {  	[sflag:s18] =	ssyncset.done $0x0;
	(pc) =	sbr.rel @p1 .LBB2_6-.Ltmp3, $4  }
0x3e: {  	[sflag:s18] =	ssyncadd.s32 $0xFFFFC000  }
0x3f: {  	[spmem:s4] =	stream.indirect.scatter.add.f32 [tilespmem:s17], [sflag:$0x2], $0x80, s16, s16, $0xb8;
	[tilespmem:$0x18100] =	vst v63  }
0x40: {  	_ =	swait.ge [sflag:s15], $0x4000  }
0x41: {  	s21 =	smov.u32 s23;
	[sflag:s15] =	ssyncset.done $0x0  }
.Ltmp4:
0x42: {  	_ = 	snop;
	(pc) =	sbr.rel .LBB2_7-.Ltmp4, $1  }
0x43: {  	_ =	sdelay $0x3  }
.LBB2_2:
0x44: {  	s20 =	sadd.s32 $0x0, s12  }
0x45: {  	[tilespmem:s5], [sflag:$0x2] =	stream.linear.gather [hbm4b:s20+s5], $0x100, $0x38;
	[tilespmem:$0x18100] =	vst v63  }
0x46: {  	_ =	swait.ge [sflag:s15], $0x100  }
0x47: {  	[sflag:s15] =	ssyncset.done $0x0  }
0x48: {  	[sflag:s15] =	ssyncadd.s32 $0xFFFFFF00  }
0x49: {  	[tilespmem:s17], [sflag:$0x1] =	stream.indirect.gather [hbm4b:s1+s16], $0x80, s5, s16, $0xb8;
	[tilespmem:$0x18100] =	vst v63  }
0x4a: {  	_ =	swait.ge [sflag:s18], $0x4000  }
0x4b: {  	[sflag:s18] =	ssyncset.done $0x0  }
0x4c: {  	[sflag:s18] =	ssyncadd.s32 $0xFFFFC000  }
0x4d: {  	[spmem:s4] =	stream.indirect.scatter.add.f32 [tilespmem:s17], [sflag:$0x2], $0x80, s16, s16, $0xb8;
	[tilespmem:$0x18100] =	vst v63  }
0x4e: {  	_ =	swait.ge [sflag:s15], $0x4000  }
0x4f: {  	s21 =	simm.s32 $0x40;
	s20 =	simm.s32 $0x20;
	[sflag:s15] =	ssyncset.done $0x0  }
.LBB2_3:
0x50: {  	s22 =	sadd.s32 s20, s12  }
0x51: {  	[sflag:s15] =	ssyncadd.s32 $0xFFFFC000;
	s20 =	smov.u32 s21;
	s23 =	sadd.s32 $0x20, s21  }
0x52: {  	[tilespmem:s5], [sflag:$0x2] =	stream.linear.gather [hbm4b:s22+s5], $0x100, $0x38;
	[tilespmem:$0x18100] =	vst v63  }
0x53: {  	p1 =	seq.s32 s21, $0x13A0;
	_ =	swait.ge [sflag:s15], $0x100  }
0x54: {  	[sflag:s15] =	ssyncset.done $0x0  }
0x55: {  	[sflag:s15] =	ssyncadd.s32 $0xFFFFFF00  }
0x56: {  	[tilespmem:s17], [sflag:$0x1] =	stream.indirect.gather [hbm4b:s1+s16], $0x80, s5, s16, $0xb8;
	[tilespmem:$0x18100] =	vst v63  }
0x57: {  	_ =	swait.ge [sflag:s18], $0x4000  }
.Ltmp5:
0x58: {  	[sflag:s18] =	ssyncset.done $0x0;
	(pc) =	sbr.rel @!p1 .LBB2_3-.Ltmp5, $4  }
0x59: {  	[sflag:s18] =	ssyncadd.s32 $0xFFFFC000  }
0x5a: {  	[spmem:s4] =	stream.indirect.scatter.add.f32 [tilespmem:s17], [sflag:$0x2], $0x80, s16, s16, $0xb8;
	[tilespmem:$0x18100] =	vst v63  }
0x5b: {  	_ =	swait.ge [sflag:s15], $0x4000  }
0x5c: {  	s21 =	smov.u32 s23;
	[sflag:s15] =	ssyncset.done $0x0  }
0x5d: {  	s20 =	sadd.s32 s20, s12;
	[sflag:s15] =	ssyncadd.s32 $0xFFFFC000  }
0x5e: {  	[tilespmem:s5], [sflag:$0x2] =	stream.linear.gather [hbm4b:s20+s5], $0x100, $0x38;
	[tilespmem:$0x18100] =	vst v63  }
0x5f: {  	_ =	swait.ge [sflag:s15], $0x100  }
0x60: {  	[sflag:s15] =	ssyncset.done $0x0  }
0x61: {  	[sflag:s15] =	ssyncadd.s32 $0xFFFFFF00  }
0x62: {  	[tilespmem:s17], [sflag:$0x1] =	stream.indirect.gather [hbm4b:s1+s16], $0x80, s5, s16, $0xb8;
	[tilespmem:$0x18100] =	vst v63  }
0x63: {  	_ =	swait.ge [sflag:s18], $0x4000  }
0x64: {  	[sflag:s18] =	ssyncset.done $0x0  }
.Ltmp6:
0x65: {  	[sflag:s18] =	ssyncadd.s32 $0xFFFFC000;
	(pc) =	sbr.rel .LBB2_8-.Ltmp6, $4  }
0x66: {  	[spmem:s4] =	stream.indirect.scatter.add.f32 [tilespmem:s17], [sflag:$0x2], $0x80, s16, s16, $0xb8;
	[tilespmem:$0x18100] =	vst v63  }
0x67: {  	_ =	swait.ge [sflag:s15], $0x4000  }
0x68: {  	[sflag:s15] =	ssyncset.done $0x0  }
0x69: {  	s20 =	smov.u32 s7;
	[sflag:s15] =	ssyncadd.s32 $0xFFFFC000  }
.LBB2_9:
0x6a: {  	_ =	sfence.sel $0x180000  }
0x6b: {  	[bflag:$0x0] =	sbarrier.arrive $0xFFFF  }
0x6c: {  	p0 =	sne.s32 s3, $0x0;
	_ =	strace $0x9000004A  }
0x6d: {  	s0 =	sadd.s32 @!p0 $0x100000, s0;
	[bflag:$0x2] =	sbarrier.arrive $0xFFFF  }
0x6e: {  	[sflag:s0] =	ssyncadd.tile.s32 @!p0 $0x1;
	_ =	shalt  }
.Lfunc_end2:
_tile_overlayer_lowered:
.L_overlay_start_2:
0x6f: {  	(tag) =	ssettag $0x2  }
0x70: {  	s0 =	rddreg [dreg:$0x0];
	s2 =	stileid.u32  }
0x71: {  	s1 =	rddreg [dreg:$0x1];
	p0 =	sne.s32 s2, $0x0  }
0x72: {  	s3 =	rddreg [dreg:$0x2];
	[bflag:$0x3] =	sbarrier.arrive $0xFFFF;
	s2 =	simm.s32 @!p0 $0x1C02  }
0x73: {  	[timem:s3], [sflag:s2] =	dma.local @!p0 [hbm:s0], s1  }
0x74: {  	s0 =	simm.s32 @!p0 $0x2  }
0x75: {  	_ =	swait.ge @!p0 [sflag:s0], s1  }
0x76: {  	s1 =	ssub.s32 @!p0 $0x0, s1;
	[sflag:s0] =	ssyncset.done @!p0 $0x0  }
0x77: {  	[sflag:s0] =	ssyncadd.s32 @!p0 s1  }
0x78: {  	[bflag:$0x3] =	sbarrier.arrive $0xFFFF  }
0x79: {  	_ =	shalt  }

// kernel: kernel.14.cloned.1.call-start
scs
__scs_entry_jumppad:
0x0: {  	(pc) =	sbr.rel $0x88, $3  }
0x1: {  	(tag) =	ssettag $0x0;
	lr =	simm.s32 $0x1  }
0x2: {  	[smem:$0x3F84] =	sst lr;
	_ =	strace $0xD0000000  }
0x3: {  	_ = 	snop  }
0x4: {  	_ = 	snop  }
0x5: {  	_ = 	snop  }
0x6: {  	_ = 	snop  }
0x7: {  	_ = 	snop  }
__scs_overlays_trampoline_lowered:
0x8: {  	[smem:$0x3F93] =	sst s0  }
0x9: {  	[smem:$0x3F94] =	sst s1  }
0xa: {  	[smem:$0x3F95] =	sst s2  }
0xb: {  	[smem:$0x3F96] =	sst s3  }
0xc: {  	[smem:$0x3F97] =	sst s4  }
0xd: {  	[smem:$0x3F98] =	sst s5  }
0xe: {  	[smem:$0x3F99] =	sst s6  }
0xf: {  	[smem:$0x3F9A] =	sst s7  }
0x10: {  	[smem:$0x3F9B] =	sst s8  }
0x11: {  	[smem:$0x3F9C] =	sst s9;
	s0 =	simm.s32 @!p0 $0x0  }
0x12: {  	s1 =	sld [smem:$0x3F82];
	s0 =	simm.s32 @p0 $0x1  }
0x13: {  	[smem:$0x3F9D] =	sst s0;
	s0 =	simm.s32 @!p1 $0x0  }
0x14: {  	s2 =	sld [smem:$0x3F81];
	s0 =	simm.s32 @p1 $0x1  }
0x15: {  	[smem:$0x3F9E] =	sst s0;
	s0 =	simm.s32 @!p2 $0x0  }
0x16: {  	s3 =	sld [smem:$0x3FDB];
	s0 =	simm.s32 @p2 $0x1  }
0x17: {  	s4 =	simm.s32 $0x1BF5;
	[smem:$0x3FA0] =	sst s0  }
0x18: {  	s0 =	sld [smem:$0x3F83];
	_ =	swait.ge [sflag:s4], $0x0  }
0x19: {  	s7 =	sld [smem:$0x3F84]  }
0x1a: {  	s8 =	sadd.s32 $0xFFFFE003, lr  }
0x1b: {  	s9 =	sadd.s32 $0xFFFFFEF7, lr;
	s5 =	simm.s32 $0xFFFFFFFF;
	p2 =	slt.u32 s8, $0xFFFFF086  }
0x1c: {  	p1 =	slt.u32 s9, $0xF7A;
	s5 =	simm.s32 @!p2 $0x0  }
0x1d: {  	s5 =	simm.s32 @p1 $0x1;
	p0 =	seq.s32 s7, s2  }
0x1e: {  	s7 =	smul.u32 @!p0 $0xF7A, s2;
	p2 =	seq.s32 @!p0 s5, $0x0  }
0x1f: {  	s9 =	smul.u32 $0xF7A, s1;
	s8 =	simm.s32 @!p0 $0x1BF5;
	p2 =	por !p2, p0  }
0x20: {  	[sflag:s8] =	ssyncset.s32 @!p0 $0xFFFFF086;
	s6 =	sadd.s32 @!p0 s3, s7;
	s7 =	simm.s32 @!p0 $0x108  }
0x21: {  	s3 =	sadd.s32 s3, s9;
	s6 =	sadd.s32 @!p0 $0x88, s6;
	s7 =	simm.s32 @p2 $0x1082  }
0x22: {  	[simem:s7], [sflag:s8] =	dma.local @!p0 [hbm:s6], $0xF7A  }
0x23: {  	s9 =	sor.u32 $0xD0000000, s2;
	s6 =	simm.s32 $0x108;
	_ =	swait.ge @!p0 [sflag:s8], $0x0  }
0x24: {  	s3 =	sadd.s32 $0x88, s3;
	s6 =	simm.s32 @!p1 $0x1082;
	[sflag:s4] =	ssyncset.s32 $0xFFFFF086  }
0x25: {  	[simem:s6], [sflag:s4] =	dma.local [hbm:s3], $0xF7A  }
0x26: {  	[smem:$0x3F84] =	sst s1;
	(tag) =	ssettag s2;
	_ =	strace s9  }
0x27: {  	s1 =	sld [smem:$0x3F94]  }
0x28: {  	s2 =	sld [smem:$0x3F95]  }
0x29: {  	s4 =	sld [smem:$0x3F97]  }
0x2a: {  	p0 =	seq.s32 s5, $0x0;
	s5 =	sld [smem:$0x3F98]  }
0x2b: {  	s6 =	sld [smem:$0x3F99]  }
0x2c: {  	s7 =	sld [smem:$0x3F9A]  }
0x2d: {  	s3 =	simm.s32 $0x108;
	s8 =	sld [smem:$0x3F9B]  }
0x2e: {  	s3 =	simm.s32 @!p0 $0x1082;
	s9 =	sld [smem:$0x3F9C]  }
0x2f: {  	lr =	sadd.s32 s0, s3;
	s0 =	sld [smem:$0x3F93]  }
0x30: {  	s3 =	sld [smem:$0x3F96]  }
0x31: {  	[smem:$0x3F9F] =	sst s10  }
0x32: {  	s10 =	sld [smem:$0x3F9D];
	_ =	sdelay $0x3  }
0x33: {  	p0 =	seq.s32 s10, $0x1;
	s10 =	sld [smem:$0x3F9F];
	_ =	sdelay $0x3  }
0x34: {  	[smem:$0x3F9F] =	sst s10  }
0x35: {  	s10 =	sld [smem:$0x3F9E];
	_ =	sdelay $0x3  }
0x36: {  	p1 =	seq.s32 s10, $0x1;
	s10 =	sld [smem:$0x3F9F];
	_ =	sdelay $0x3  }
0x37: {  	[smem:$0x3F9F] =	sst s10  }
0x38: {  	s10 =	sld [smem:$0x3FA0]  }
0x39: {  	_ = 	snop;
	(pc) =	sbr.ind lr, $3  }
0x3a: {  	_ = 	snop  }
0x3b: {  	_ = 	snop  }
0x3c: {  	p2 =	seq.s32 s10, $0x1;
	s10 =	sld [smem:$0x3F9F]  }
0x3d: {  	_ =	shalt  }
0x3e: {  	_ =	shalt  }
0x3f: {  	_ =	shalt  }
0x40: {  	_ =	shalt  }
0x41: {  	_ =	shalt  }
0x42: {  	_ =	shalt  }
0x43: {  	_ =	shalt  }
0x44: {  	_ =	shalt  }
0x45: {  	_ =	shalt  }
0x46: {  	_ =	shalt  }
0x47: {  	_ =	shalt  }
0x48: {  	_ =	shalt  }
0x49: {  	_ =	shalt  }
0x4a: {  	_ =	shalt  }
0x4b: {  	_ =	shalt  }
0x4c: {  	_ =	shalt  }
0x4d: {  	_ =	shalt  }
0x4e: {  	_ =	shalt  }
0x4f: {  	_ =	shalt  }
0x50: {  	_ =	shalt  }
0x51: {  	_ =	shalt  }
0x52: {  	_ =	shalt  }
0x53: {  	_ =	shalt  }
0x54: {  	_ =	shalt  }
0x55: {  	_ =	shalt  }
0x56: {  	_ =	shalt  }
0x57: {  	_ =	shalt  }
0x58: {  	_ =	shalt  }
0x59: {  	_ =	shalt  }
0x5a: {  	_ =	shalt  }
0x5b: {  	_ =	shalt  }
0x5c: {  	_ =	shalt  }
0x5d: {  	_ =	shalt  }
0x5e: {  	_ =	shalt  }
0x5f: {  	_ =	shalt  }
0x60: {  	_ =	shalt  }
0x61: {  	_ =	shalt  }
0x62: {  	_ =	shalt  }
0x63: {  	_ =	shalt  }
0x64: {  	_ =	shalt  }
0x65: {  	_ =	shalt  }
0x66: {  	_ =	shalt  }
0x67: {  	_ =	shalt  }
0x68: {  	_ =	shalt  }
0x69: {  	_ =	shalt  }
0x6a: {  	_ =	shalt  }
0x6b: {  	_ =	shalt  }
0x6c: {  	_ =	shalt  }
0x6d: {  	_ =	shalt  }
0x6e: {  	_ =	shalt  }
0x6f: {  	_ =	shalt  }
0x70: {  	_ =	shalt  }
0x71: {  	_ =	shalt  }
0x72: {  	_ =	shalt  }
0x73: {  	_ =	shalt  }
0x74: {  	_ =	shalt  }
0x75: {  	_ =	shalt  }
0x76: {  	_ =	shalt  }
0x77: {  	_ =	shalt  }
0x78: {  	_ =	shalt  }
0x79: {  	_ =	shalt  }
0x7a: {  	_ =	shalt  }
0x7b: {  	_ =	shalt  }
0x7c: {  	_ =	shalt  }
0x7d: {  	_ =	shalt  }
0x7e: {  	_ =	shalt  }
0x7f: {  	_ =	shalt  }
0x80: {  	_ =	shalt  }
0x81: {  	_ =	shalt  }
0x82: {  	_ =	shalt  }
0x83: {  	_ =	shalt  }
0x84: {  	_ =	shalt  }
0x85: {  	_ =	shalt  }
0x86: {  	_ =	shalt  }
0x87: {  	_ =	shalt  }
.Lfunc_end0:
.L_simem_size_0:
called_computation.2_lowered:
.L_overlay_start_0:
0x88: {  	s2 =	sld [smem:$0x3FD9]  }
0x89: {  	s3 =	sld [smem:$0x3FFE];
	_ =	sdelay $0x1  }
0x8a: {  	s1 =	srdreg.scid  }
0x8b: {  	s0 =	sand.u32 $0x1, s1  }
0x8c: {  	s14 =	sshll.u32 s0, $0xA;
	s2 =	sadd.s32 s3, s2  }
0x8d: {  	s2 =	sadd.s32 s2, s14  }
0x8e: {  	[smem:$0x3FAB] =	sst s2  }
0x8f: {  	_ = 	snop  }
0x90: {  	s2 =	sld [smem:$0x3FD0];
	_ =	sdelay $0x2  }
0x91: {  	s15 =	simm.s32 $0xA;
	s4 =	simm.s32 $0x10  }
0x92: {  	[smem:s4], [sflag:s15] =	dma.local [hbm:s2], $0x1  }
0x93: {  	_ =	swait.eq [sflag:s15], $0x1  }
0x94: {  	[sflag:s15] =	ssyncset.done $0x0  }
0x95: {  	s16 =	sld [smem:$0x10];
	[sflag:s15] =	ssyncadd.s32 $0xFFFFFFFF  }
0x96: {  	s17 =	sld [smem:$0x11];
	(tm) =	ssettm $0x1  }
0x97: {  	s18 =	sld [smem:$0x3FFB];
	_ =	sdelay $0x3  }
0x98: {  	_ =	strace s18  }
0x99: {  	s4 =	sld [smem:$0x3FFC];
	_ =	sdelay $0x3  }
0x9a: {  	_ =	strace s4  }
0x9b: {  	s4 =	sld [smem:$0x3FFD];
	_ =	sdelay $0x3  }
0x9c: {  	_ =	strace s4  }
0x9d: {  	_ =	strace $0x8FFFFFFF  }
0x9e: {  	s19 =	sld [smem:$0x3FDB];
	_ =	sdelay $0x1  }
0x9f: {  	s5 =	simm.s32 $_scs_section_size  }
0xa0: {  	s6 =	simm.s32 $_size__tile_overlayer_lowered;
	s7 =	simm.s32 $_tile_overlayer_lowered  }
0xa1: {  	s22 =	simm.s32 $0x1BFF;
	s21 =	sshll.u32 s7, $0x1;
	s4 =	sadd.s32 s5, s19  }
0xa2: {  	s8 =	simm.s32 $0x0;
	s20 =	sshll.u32 s6, $0x1;
	s6 =	sadd.s32 s21, s4  }
0xa3: {  	[timem:s8], [sflag:s22] =	dma.local [hbm:s6], s20  }
0xa4: {  	_ =	swait.ge [sflag:s22], s20  }
0xa5: {  	s5 =	ssub.s32 $0x0, s20;
	[sflag:s22] =	ssyncset.done $0x0  }
0xa6: {  	[sflag:s22] =	ssyncadd.s32 s5;
	_ =	sdelay $0x1  }
0xa7: {  	s23 =	simm.s32 $0x1B8B  }
0xa8: {  	_ =	swait.ge [sflag:s23], $0x1  }
0xa9: {  	[sflag:s23] =	ssyncset.done $0x0  }
0xaa: {  	s25 =	simm.s32 $0x1B8E;
	s24 =	sld [smem:$0x3FFE];
	[sflag:s23] =	ssyncadd.s32 $0xFFFFFFFF  }
0xab: {  	s26 =	simm.s32 $execute0_lowered;
	[smem:$0x3FD2] =	sst s25  }
0xac: {  	s6 =	sshll.u32 s26, $0x1;
	_ =	strace $0x8000004C;
	[dreg:$0x1] =	wrdreg $0xFFFFFFFF  }
0xad: {  	s28 =	simm.s32 $_size_execute0_lowered;
	s4 =	sadd.s32 s4, s6;
	[dreg:$0x0] =	wrdreg $0x0  }
0xae: {  	s6 =	sshll.u32 s28, $0x1;
	[dreg:$0x2] =	wrdreg s4  }
0xaf: {  	[dreg:$0x3] =	wrdreg s6  }
0xb0: {  	[dreg:$0x4] =	wrdreg $0xC0  }
0xb1: {  	_ =	task [dreg:s8], $0x5FFFF  }
0xb2: {  	[dreg:$0x1] =	wrdreg $0xFFFFFFFF  }
0xb3: {  	[dreg:$0x0] =	wrdreg $0x60  }
0xb4: {  	[dreg:$0x2] =	wrdreg s17  }
0xb5: {  	[dreg:$0x3] =	wrdreg s16  }
0xb6: {  	[dreg:$0x4] =	wrdreg s24  }
0xb7: {  	[dreg:$0x5] =	wrdreg $0x41000  }
0xb8: {  	[dreg:$0x6] =	wrdreg $0x9  }
0xb9: {  	_ =	task.clear_ibuf [dreg:s8], $0x7FFFF;
	_ =	strace $0x9000004C  }
0xba: {  	s29 =	simm.s32 $0x9;
	_ =	strace $0x8000004E  }
0xbb: {  	_ =	swait.ge [sflag:s29], $0x1  }
0xbc: {  	[sflag:s29] =	ssyncadd.s32 $0xFFFFFFFF  }
0xbd: {  	_ =	strace $0x9000004E  }
0xbe: {  	_ =	sfence  }
0xbf: {  	s30 =	sld [smem:$0x0];
	_ =	sdelay $0x2  }
0xc0: {  	s31 =	sshll.u32 s1, $0xD;
	s1 =	sshrl.u32 s1, $0x2  }
0xc1: {  	s3 =	sand.u32 $0x4000, s31;
	s1 =	sadd.s32 s1, s30  }
0xc2: {  	s0 =	sor.u32 s3, s0;
	s1 =	sshll.u32 s1, $0x11  }
0xc3: {  	s0 =	sor.u32 s1, s0  }
0xc4: {  	s0 =	sadd.s32 $0x8F2B, s0  }
0xc5: {  	[sflag:s0] =	ssyncadd.remote.s32 $0x1  }
0xc6: {  	_ =	sfence.sel $0xFFFF  }
0xc7: {  	[dreg:$0x0] =	wrdreg $0xFFFFFFFF;
	(pc) =	sbr.abs _section_cstart, $3  }
0xc8: {  	[dreg:$0x1] =	wrdreg $0xFFFFFFFF  }
0xc9: {  	_ =	task.clear_ibuf [dreg:s8], $0x2FFFF;
	_ =	strace $0x9FFFFFFF  }
0xca: {  	(tm) =	ssettm $0x7FFFFFFF  }
0xcb: {  	_ =	shalt  }
tec
execute0_lowered:
.L_overlay_start_1:
0x0: {  	(tag) =	ssettag $0x1  }
0x1: {  	s1 =	rddreg [dreg:$0x0]  }
0x2: {  	s2 =	rddreg [dreg:$0x1]  }
0x3: {  	s8 =	rddreg [dreg:$0x2]  }
0x4: {  	s4 =	rddreg [dreg:$0x3]  }
0x5: {  	s0 =	rddreg [dreg:$0x4];
	s5 =	simm.s32 $0x0  }
0x6: {  	s3 =	stileid.u32;
	s7 =	srdreg.scid;
	s15 =	simm.s32 $0x2  }
0x7: {  	s16 =	simm.s32 $0x80;
	s17 =	simm.s32 $0x100;
	s18 =	simm.s32 $0x1  }
0x8: {  	s19 =	simm.s32 $0x0;
	[smem:$0x7FF] =	sst s5;
	s6 =	smul.u32 $0x13C0, s3  }
0x9: {  	s10 =	sand.u32 $0x1, s7;
	s9 =	smul.u32 $0x50000, s3;
	s7 =	sadd.s32 $0x80000, s8  }
0xa: {  	s11 =	ssub.s32 $0x2, s10;
	p0 =	seq.s32 s10, $0x1;
	s10 =	smul.u32 $0x2800, s3  }
.Ltmp0:
0xb: {  	s31 =	sshll.u32 s3, $0x6;
	_ =	strace $0x8000004D;
	(pc) =	sbr.rel .LBB2_1-.Ltmp0, $4  }
0xc: {  	s13 =	sadd.s32 s6, s8;
	s6 =	sadd.s32 $0x7D800, s8;
	s12 =	sshrl.u32 s11, $0x1  }
0xd: {  	s8 =	sadd.s32 $0xA8000, s8;
	s9 =	sshrl.u32 s9, $0x2;
	s11 =	ssub.s32 s11, s12  }
0xe: {  	s14 =	sadd.s32 s9, s4;
	s9 =	sor.u32 $0x1C02, s31;
	s12 =	sadd.s32 $0x56000, s13  }
0xf: {  	s13 =	sadd.s32 $0x69C00, s13;
	s11 =	smax.u32 s11, $0x1;
	s14 =	sshrl.u32 s14, $0x3  }
.LBB2_7:
0x10: {  	s20 =	sadd.s32 s20, s13;
	[sflag:s15] =	ssyncadd.s32 $0xFFFFC000  }
0x11: {  	[tilespmem:s5], [sflag:$0x2] =	stream.linear.gather [hbm4b:s20+s5], $0x100, $0x38;
	[tilespmem:$0x18100] =	vst v63  }
0x12: {  	_ =	swait.ge [sflag:s15], $0x100  }
0x13: {  	[sflag:s15] =	ssyncset.done $0x0  }
0x14: {  	[sflag:s15] =	ssyncadd.s32 $0xFFFFFF00  }
0x15: {  	[tilespmem:s17], [sflag:$0x1] =	stream.indirect.gather [hbm4b:s2+s16], $0x80, s5, s16, $0xb8;
	[tilespmem:$0x18100] =	vst v63  }
0x16: {  	_ =	swait.ge [sflag:s18], $0x4000  }
0x17: {  	[sflag:s18] =	ssyncset.done $0x0  }
0x18: {  	[sflag:s18] =	ssyncadd.s32 $0xFFFFC000  }
0x19: {  	[spmem:s4] =	stream.indirect.scatter.add.f32 [tilespmem:s17], [sflag:$0x2], $0x80, s16, s16, $0xb8;
	[tilespmem:$0x18100] =	vst v63  }
0x1a: {  	_ =	swait.ge [sflag:s15], $0x4000  }
0x1b: {  	[sflag:s15] =	ssyncset.done $0x0  }
0x1c: {  	s20 =	smov.u32 s8;
	[sflag:s15] =	ssyncadd.s32 $0xFFFFC000  }
.LBB2_8:
0x1d: {  	s19 =	sadd.s32 $0x1, s19  }
0x1e: {  	p1 =	sne.s32 s19, s11  }
.Ltmp1:
0x1f: {  	s20 =	sadd.s32 s20, s10;
	[bflag:$0x0] =	sbarrier.arrive $0xFFFF;
	(pc) =	sbr.rel @!p1 .LBB2_9-.Ltmp1, $4  }
0x20: {  	[hbm:s20], [sflag:s9] =	dma.local [spmem:s14], $0x2800  }
0x21: {  	_ =	swait.ge [sflag:s15], $0x2800  }
0x22: {  	[sflag:s15] =	ssyncset.done $0x0  }
0x23: {  	[sflag:s15] =	ssyncadd.s32 $0xFFFFD800  }
.LBB2_1:
0x24: {  	[spmem:s14], [sflag:s9] =	dma.local [hbm:s6], $0x2800  }
.Ltmp2:
0x25: {  	_ =	swait.ge [sflag:s15], $0x2800;
	(pc) =	sbr.rel @!p0 .LBB2_2-.Ltmp2, $3  }
0x26: {  	[sflag:s15] =	ssyncset.done $0x0  }
0x27: {  	[sflag:s15] =	ssyncadd.s32 $0xFFFFD800  }
0x28: {  	[bflag:$0x0] =	sbarrier.arrive $0xFFFF;
	_ =	sdelay $0x1  }
0x29: {  	s20 =	sadd.s32 $0x0, s13  }
0x2a: {  	[tilespmem:s5], [sflag:$0x2] =	stream.linear.gather [hbm4b:s20+s5], $0x100, $0x38;
	[tilespmem:$0x18100] =	vst v63  }
0x2b: {  	_ =	swait.ge [sflag:s15], $0x100  }
0x2c: {  	[sflag:s15] =	ssyncset.done $0x0  }
0x2d: {  	[sflag:s15] =	ssyncadd.s32 $0xFFFFFF00  }
0x2e: {  	[tilespmem:s17], [sflag:$0x1] =	stream.indirect.gather [hbm4b:s2+s16], $0x80, s5, s16, $0xb8;
	[tilespmem:$0x18100] =	vst v63  }
0x2f: {  	_ =	swait.ge [sflag:s18], $0x4000  }
0x30: {  	[sflag:s18] =	ssyncset.done $0x0  }
0x31: {  	[sflag:s18] =	ssyncadd.s32 $0xFFFFC000  }
0x32: {  	[spmem:s4] =	stream.indirect.scatter.add.f32 [tilespmem:s17], [sflag:$0x2], $0x80, s16, s16, $0xb8;
	[tilespmem:$0x18100] =	vst v63  }
0x33: {  	_ =	swait.ge [sflag:s15], $0x4000  }
0x34: {  	s21 =	simm.s32 $0x40;
	s20 =	simm.s32 $0x20;
	[sflag:s15] =	ssyncset.done $0x0  }
.LBB2_6:
0x35: {  	s22 =	sadd.s32 s20, s13  }
0x36: {  	[sflag:s15] =	ssyncadd.s32 $0xFFFFC000;
	s20 =	smov.u32 s21;
	s23 =	sadd.s32 $0x20, s21  }
0x37: {  	[tilespmem:s5], [sflag:$0x2] =	stream.linear.gather [hbm4b:s22+s5], $0x100, $0x38;
	[tilespmem:$0x18100] =	vst v63  }
0x38: {  	p1 =	sne.s32 s21, $0x13A0;
	_ =	swait.ge [sflag:s15], $0x100  }
0x39: {  	[sflag:s15] =	ssyncset.done $0x0  }
0x3a: {  	[sflag:s15] =	ssyncadd.s32 $0xFFFFFF00  }
0x3b: {  	[tilespmem:s17], [sflag:$0x1] =	stream.indirect.gather [hbm4b:s2+s16], $0x80, s5, s16, $0xb8;
	[tilespmem:$0x18100] =	vst v63  }
0x3c: {  	_ =	swait.ge [sflag:s18], $0x4000  }
.Ltmp3:
0x3d: {  	[sflag:s18] =	ssyncset.done $0x0;
	(pc) =	sbr.rel @p1 .LBB2_6-.Ltmp3, $4  }
0x3e: {  	[sflag:s18] =	ssyncadd.s32 $0xFFFFC000  }
0x3f: {  	[spmem:s4] =	stream.indirect.scatter.add.f32 [tilespmem:s17], [sflag:$0x2], $0x80, s16, s16, $0xb8;
	[tilespmem:$0x18100] =	vst v63  }
0x40: {  	_ =	swait.ge [sflag:s15], $0x4000  }
0x41: {  	s21 =	smov.u32 s23;
	[sflag:s15] =	ssyncset.done $0x0  }
.Ltmp4:
0x42: {  	_ = 	snop;
	(pc) =	sbr.rel .LBB2_7-.Ltmp4, $1  }
0x43: {  	_ =	sdelay $0x3  }
.LBB2_2:
0x44: {  	s20 =	sadd.s32 $0x0, s12  }
0x45: {  	[tilespmem:s5], [sflag:$0x2] =	stream.linear.gather [hbm4b:s20+s5], $0x100, $0x38;
	[tilespmem:$0x18100] =	vst v63  }
0x46: {  	_ =	swait.ge [sflag:s15], $0x100  }
0x47: {  	[sflag:s15] =	ssyncset.done $0x0  }
0x48: {  	[sflag:s15] =	ssyncadd.s32 $0xFFFFFF00  }
0x49: {  	[tilespmem:s17], [sflag:$0x1] =	stream.indirect.gather [hbm4b:s1+s16], $0x80, s5, s16, $0xb8;
	[tilespmem:$0x18100] =	vst v63  }
0x4a: {  	_ =	swait.ge [sflag:s18], $0x4000  }
0x4b: {  	[sflag:s18] =	ssyncset.done $0x0  }
0x4c: {  	[sflag:s18] =	ssyncadd.s32 $0xFFFFC000  }
0x4d: {  	[spmem:s4] =	stream.indirect.scatter.add.f32 [tilespmem:s17], [sflag:$0x2], $0x80, s16, s16, $0xb8;
	[tilespmem:$0x18100] =	vst v63  }
0x4e: {  	_ =	swait.ge [sflag:s15], $0x4000  }
0x4f: {  	s21 =	simm.s32 $0x40;
	s20 =	simm.s32 $0x20;
	[sflag:s15] =	ssyncset.done $0x0  }
.LBB2_3:
0x50: {  	s22 =	sadd.s32 s20, s12  }
0x51: {  	[sflag:s15] =	ssyncadd.s32 $0xFFFFC000;
	s20 =	smov.u32 s21;
	s23 =	sadd.s32 $0x20, s21  }
0x52: {  	[tilespmem:s5], [sflag:$0x2] =	stream.linear.gather [hbm4b:s22+s5], $0x100, $0x38;
	[tilespmem:$0x18100] =	vst v63  }
0x53: {  	p1 =	seq.s32 s21, $0x13A0;
	_ =	swait.ge [sflag:s15], $0x100  }
0x54: {  	[sflag:s15] =	ssyncset.done $0x0  }
0x55: {  	[sflag:s15] =	ssyncadd.s32 $0xFFFFFF00  }
0x56: {  	[tilespmem:s17], [sflag:$0x1] =	stream.indirect.gather [hbm4b:s1+s16], $0x80, s5, s16, $0xb8;
	[tilespmem:$0x18100] =	vst v63  }
0x57: {  	_ =	swait.ge [sflag:s18], $0x4000  }
.Ltmp5:
0x58: {  	[sflag:s18] =	ssyncset.done $0x0;
	(pc) =	sbr.rel @!p1 .LBB2_3-.Ltmp5, $4  }
0x59: {  	[sflag:s18] =	ssyncadd.s32 $0xFFFFC000  }
0x5a: {  	[spmem:s4] =	stream.indirect.scatter.add.f32 [tilespmem:s17], [sflag:$0x2], $0x80, s16, s16, $0xb8;
	[tilespmem:$0x18100] =	vst v63  }
0x5b: {  	_ =	swait.ge [sflag:s15], $0x4000  }
0x5c: {  	s21 =	smov.u32 s23;
	[sflag:s15] =	ssyncset.done $0x0  }
0x5d: {  	s20 =	sadd.s32 s20, s12;
	[sflag:s15] =	ssyncadd.s32 $0xFFFFC000  }
0x5e: {  	[tilespmem:s5], [sflag:$0x2] =	stream.linear.gather [hbm4b:s20+s5], $0x100, $0x38;
	[tilespmem:$0x18100] =	vst v63  }
0x5f: {  	_ =	swait.ge [sflag:s15], $0x100  }
0x60: {  	[sflag:s15] =	ssyncset.done $0x0  }
0x61: {  	[sflag:s15] =	ssyncadd.s32 $0xFFFFFF00  }
0x62: {  	[tilespmem:s17], [sflag:$0x1] =	stream.indirect.gather [hbm4b:s1+s16], $0x80, s5, s16, $0xb8;
	[tilespmem:$0x18100] =	vst v63  }
0x63: {  	_ =	swait.ge [sflag:s18], $0x4000  }
0x64: {  	[sflag:s18] =	ssyncset.done $0x0  }
.Ltmp6:
0x65: {  	[sflag:s18] =	ssyncadd.s32 $0xFFFFC000;
	(pc) =	sbr.rel .LBB2_8-.Ltmp6, $4  }
0x66: {  	[spmem:s4] =	stream.indirect.scatter.add.f32 [tilespmem:s17], [sflag:$0x2], $0x80, s16, s16, $0xb8;
	[tilespmem:$0x18100] =	vst v63  }
0x67: {  	_ =	swait.ge [sflag:s15], $0x4000  }
0x68: {  	[sflag:s15] =	ssyncset.done $0x0  }
0x69: {  	s20 =	smov.u32 s7;
	[sflag:s15] =	ssyncadd.s32 $0xFFFFC000  }
.LBB2_9:
0x6a: {  	_ =	sfence.sel $0x180000  }
0x6b: {  	[bflag:$0x0] =	sbarrier.arrive $0xFFFF  }
0x6c: {  	p0 =	sne.s32 s3, $0x0;
	_ =	strace $0x9000004D  }
0x6d: {  	s0 =	sadd.s32 @!p0 $0x100000, s0;
	[bflag:$0x2] =	sbarrier.arrive $0xFFFF  }
0x6e: {  	[sflag:s0] =	ssyncadd.tile.s32 @!p0 $0x1;
	_ =	shalt  }
.Lfunc_end2:
_tile_overlayer_lowered:
.L_overlay_start_2:
0x6f: {  	(tag) =	ssettag $0x2  }
0x70: {  	s0 =	rddreg [dreg:$0x0];
	s2 =	stileid.u32  }
0x71: {  	s1 =	rddreg [dreg:$0x1];
	p0 =	sne.s32 s2, $0x0  }
0x72: {  	s3 =	rddreg [dreg:$0x2];
	[bflag:$0x3] =	sbarrier.arrive $0xFFFF;
	s2 =	simm.s32 @!p0 $0x1C02  }
0x73: {  	[timem:s3], [sflag:s2] =	dma.local @!p0 [hbm:s0], s1  }
0x74: {  	s0 =	simm.s32 @!p0 $0x2  }
0x75: {  	_ =	swait.ge @!p0 [sflag:s0], s1  }
0x76: {  	s1 =	ssub.s32 @!p0 $0x0, s1;
	[sflag:s0] =	ssyncset.done @!p0 $0x0  }
0x77: {  	[sflag:s0] =	ssyncadd.s32 @!p0 s1  }
0x78: {  	[bflag:$0x3] =	sbarrier.arrive $0xFFFF  }
0x79: {  	_ =	shalt  }

// kernel: kernel.8.cloned.1.call-start
scs
__scs_entry_jumppad:
0x0: {  	(pc) =	sbr.rel $0x88, $3  }
0x1: {  	(tag) =	ssettag $0x0;
	lr =	simm.s32 $0x1  }
0x2: {  	[smem:$0x3F84] =	sst lr;
	_ =	strace $0xD0000000  }
0x3: {  	_ = 	snop  }
0x4: {  	_ = 	snop  }
0x5: {  	_ = 	snop  }
0x6: {  	_ = 	snop  }
0x7: {  	_ = 	snop  }
__scs_overlays_trampoline_lowered:
0x8: {  	[smem:$0x3F93] =	sst s0  }
0x9: {  	[smem:$0x3F94] =	sst s1  }
0xa: {  	[smem:$0x3F95] =	sst s2  }
0xb: {  	[smem:$0x3F96] =	sst s3  }
0xc: {  	[smem:$0x3F97] =	sst s4  }
0xd: {  	[smem:$0x3F98] =	sst s5  }
0xe: {  	[smem:$0x3F99] =	sst s6  }
0xf: {  	[smem:$0x3F9A] =	sst s7  }
0x10: {  	[smem:$0x3F9B] =	sst s8  }
0x11: {  	[smem:$0x3F9C] =	sst s9;
	s0 =	simm.s32 @!p0 $0x0  }
0x12: {  	s1 =	sld [smem:$0x3F82];
	s0 =	simm.s32 @p0 $0x1  }
0x13: {  	[smem:$0x3F9D] =	sst s0;
	s0 =	simm.s32 @!p1 $0x0  }
0x14: {  	s2 =	sld [smem:$0x3F81];
	s0 =	simm.s32 @p1 $0x1  }
0x15: {  	[smem:$0x3F9E] =	sst s0;
	s0 =	simm.s32 @!p2 $0x0  }
0x16: {  	s3 =	sld [smem:$0x3FDB];
	s0 =	simm.s32 @p2 $0x1  }
0x17: {  	s4 =	simm.s32 $0x1BF5;
	[smem:$0x3FA0] =	sst s0  }
0x18: {  	s0 =	sld [smem:$0x3F83];
	_ =	swait.ge [sflag:s4], $0x0  }
0x19: {  	s7 =	sld [smem:$0x3F84]  }
0x1a: {  	s8 =	sadd.s32 $0xFFFFE003, lr  }
0x1b: {  	s9 =	sadd.s32 $0xFFFFFEF7, lr;
	s5 =	simm.s32 $0xFFFFFFFF;
	p2 =	slt.u32 s8, $0xFFFFF086  }
0x1c: {  	p1 =	slt.u32 s9, $0xF7A;
	s5 =	simm.s32 @!p2 $0x0  }
0x1d: {  	s5 =	simm.s32 @p1 $0x1;
	p0 =	seq.s32 s7, s2  }
0x1e: {  	s7 =	smul.u32 @!p0 $0xF7A, s2;
	p2 =	seq.s32 @!p0 s5, $0x0  }
0x1f: {  	s9 =	smul.u32 $0xF7A, s1;
	s8 =	simm.s32 @!p0 $0x1BF5;
	p2 =	por !p2, p0  }
0x20: {  	[sflag:s8] =	ssyncset.s32 @!p0 $0xFFFFF086;
	s6 =	sadd.s32 @!p0 s3, s7;
	s7 =	simm.s32 @!p0 $0x108  }
0x21: {  	s3 =	sadd.s32 s3, s9;
	s6 =	sadd.s32 @!p0 $0x88, s6;
	s7 =	simm.s32 @p2 $0x1082  }
0x22: {  	[simem:s7], [sflag:s8] =	dma.local @!p0 [hbm:s6], $0xF7A  }
0x23: {  	s9 =	sor.u32 $0xD0000000, s2;
	s6 =	simm.s32 $0x108;
	_ =	swait.ge @!p0 [sflag:s8], $0x0  }
0x24: {  	s3 =	sadd.s32 $0x88, s3;
	s6 =	simm.s32 @!p1 $0x1082;
	[sflag:s4] =	ssyncset.s32 $0xFFFFF086  }
0x25: {  	[simem:s6], [sflag:s4] =	dma.local [hbm:s3], $0xF7A  }
0x26: {  	[smem:$0x3F84] =	sst s1;
	(tag) =	ssettag s2;
	_ =	strace s9  }
0x27: {  	s1 =	sld [smem:$0x3F94]  }
0x28: {  	s2 =	sld [smem:$0x3F95]  }
0x29: {  	s4 =	sld [smem:$0x3F97]  }
0x2a: {  	p0 =	seq.s32 s5, $0x0;
	s5 =	sld [smem:$0x3F98]  }
0x2b: {  	s6 =	sld [smem:$0x3F99]  }
0x2c: {  	s7 =	sld [smem:$0x3F9A]  }
0x2d: {  	s3 =	simm.s32 $0x108;
	s8 =	sld [smem:$0x3F9B]  }
0x2e: {  	s3 =	simm.s32 @!p0 $0x1082;
	s9 =	sld [smem:$0x3F9C]  }
0x2f: {  	lr =	sadd.s32 s0, s3;
	s0 =	sld [smem:$0x3F93]  }
0x30: {  	s3 =	sld [smem:$0x3F96]  }
0x31: {  	[smem:$0x3F9F] =	sst s10  }
0x32: {  	s10 =	sld [smem:$0x3F9D];
	_ =	sdelay $0x3  }
0x33: {  	p0 =	seq.s32 s10, $0x1;
	s10 =	sld [smem:$0x3F9F];
	_ =	sdelay $0x3  }
0x34: {  	[smem:$0x3F9F] =	sst s10  }
0x35: {  	s10 =	sld [smem:$0x3F9E];
	_ =	sdelay $0x3  }
0x36: {  	p1 =	seq.s32 s10, $0x1;
	s10 =	sld [smem:$0x3F9F];
	_ =	sdelay $0x3  }
0x37: {  	[smem:$0x3F9F] =	sst s10  }
0x38: {  	s10 =	sld [smem:$0x3FA0]  }
0x39: {  	_ = 	snop;
	(pc) =	sbr.ind lr, $3  }
0x3a: {  	_ = 	snop  }
0x3b: {  	_ = 	snop  }
0x3c: {  	p2 =	seq.s32 s10, $0x1;
	s10 =	sld [smem:$0x3F9F]  }
0x3d: {  	_ =	shalt  }
0x3e: {  	_ =	shalt  }
0x3f: {  	_ =	shalt  }
0x40: {  	_ =	shalt  }
0x41: {  	_ =	shalt  }
0x42: {  	_ =	shalt  }
0x43: {  	_ =	shalt  }
0x44: {  	_ =	shalt  }
0x45: {  	_ =	shalt  }
0x46: {  	_ =	shalt  }
0x47: {  	_ =	shalt  }
0x48: {  	_ =	shalt  }
0x49: {  	_ =	shalt  }
0x4a: {  	_ =	shalt  }
0x4b: {  	_ =	shalt  }
0x4c: {  	_ =	shalt  }
0x4d: {  	_ =	shalt  }
0x4e: {  	_ =	shalt  }
0x4f: {  	_ =	shalt  }
0x50: {  	_ =	shalt  }
0x51: {  	_ =	shalt  }
0x52: {  	_ =	shalt  }
0x53: {  	_ =	shalt  }
0x54: {  	_ =	shalt  }
0x55: {  	_ =	shalt  }
0x56: {  	_ =	shalt  }
0x57: {  	_ =	shalt  }
0x58: {  	_ =	shalt  }
0x59: {  	_ =	shalt  }
0x5a: {  	_ =	shalt  }
0x5b: {  	_ =	shalt  }
0x5c: {  	_ =	shalt  }
0x5d: {  	_ =	shalt  }
0x5e: {  	_ =	shalt  }
0x5f: {  	_ =	shalt  }
0x60: {  	_ =	shalt  }
0x61: {  	_ =	shalt  }
0x62: {  	_ =	shalt  }
0x63: {  	_ =	shalt  }
0x64: {  	_ =	shalt  }
0x65: {  	_ =	shalt  }
0x66: {  	_ =	shalt  }
0x67: {  	_ =	shalt  }
0x68: {  	_ =	shalt  }
0x69: {  	_ =	shalt  }
0x6a: {  	_ =	shalt  }
0x6b: {  	_ =	shalt  }
0x6c: {  	_ =	shalt  }
0x6d: {  	_ =	shalt  }
0x6e: {  	_ =	shalt  }
0x6f: {  	_ =	shalt  }
0x70: {  	_ =	shalt  }
0x71: {  	_ =	shalt  }
0x72: {  	_ =	shalt  }
0x73: {  	_ =	shalt  }
0x74: {  	_ =	shalt  }
0x75: {  	_ =	shalt  }
0x76: {  	_ =	shalt  }
0x77: {  	_ =	shalt  }
0x78: {  	_ =	shalt  }
0x79: {  	_ =	shalt  }
0x7a: {  	_ =	shalt  }
0x7b: {  	_ =	shalt  }
0x7c: {  	_ =	shalt  }
0x7d: {  	_ =	shalt  }
0x7e: {  	_ =	shalt  }
0x7f: {  	_ =	shalt  }
0x80: {  	_ =	shalt  }
0x81: {  	_ =	shalt  }
0x82: {  	_ =	shalt  }
0x83: {  	_ =	shalt  }
0x84: {  	_ =	shalt  }
0x85: {  	_ =	shalt  }
0x86: {  	_ =	shalt  }
0x87: {  	_ =	shalt  }
.Lfunc_end0:
.L_simem_size_0:
called_computation_lowered:
.L_overlay_start_0:
0x88: {  	s2 =	sld [smem:$0x3FD9]  }
0x89: {  	s3 =	sld [smem:$0x3FFE];
	_ =	sdelay $0x1  }
0x8a: {  	s1 =	srdreg.scid  }
0x8b: {  	s0 =	sand.u32 $0x1, s1  }
0x8c: {  	s14 =	sshll.u32 s0, $0xA;
	s2 =	sadd.s32 s3, s2  }
0x8d: {  	s2 =	sadd.s32 s2, s14  }
0x8e: {  	[smem:$0x3FAB] =	sst s2  }
0x8f: {  	_ = 	snop  }
0x90: {  	s2 =	sld [smem:$0x3FD0];
	_ =	sdelay $0x2  }
0x91: {  	s15 =	simm.s32 $0xA;
	s4 =	simm.s32 $0x10  }
0x92: {  	[smem:s4], [sflag:s15] =	dma.local [hbm:s2], $0x1  }
0x93: {  	_ =	swait.eq [sflag:s15], $0x1  }
0x94: {  	[sflag:s15] =	ssyncset.done $0x0  }
0x95: {  	s16 =	sld [smem:$0x10];
	[sflag:s15] =	ssyncadd.s32 $0xFFFFFFFF  }
0x96: {  	s17 =	sld [smem:$0x11];
	(tm) =	ssettm $0x1  }
0x97: {  	s18 =	sld [smem:$0x3FFB];
	_ =	sdelay $0x3  }
0x98: {  	_ =	strace s18  }
0x99: {  	s4 =	sld [smem:$0x3FFC];
	_ =	sdelay $0x3  }
0x9a: {  	_ =	strace s4  }
0x9b: {  	s4 =	sld [smem:$0x3FFD];
	_ =	sdelay $0x3  }
0x9c: {  	_ =	strace s4  }
0x9d: {  	_ =	strace $0x8FFFFFFF  }
0x9e: {  	s19 =	sld [smem:$0x3FDB];
	_ =	sdelay $0x1  }
0x9f: {  	s5 =	simm.s32 $_scs_section_size  }
0xa0: {  	s6 =	simm.s32 $_size__tile_overlayer_lowered;
	s7 =	simm.s32 $_tile_overlayer_lowered  }
0xa1: {  	s22 =	simm.s32 $0x1BFF;
	s21 =	sshll.u32 s7, $0x1;
	s4 =	sadd.s32 s5, s19  }
0xa2: {  	s8 =	simm.s32 $0x0;
	s20 =	sshll.u32 s6, $0x1;
	s6 =	sadd.s32 s21, s4  }
0xa3: {  	[timem:s8], [sflag:s22] =	dma.local [hbm:s6], s20  }
0xa4: {  	_ =	swait.ge [sflag:s22], s20  }
0xa5: {  	s5 =	ssub.s32 $0x0, s20;
	[sflag:s22] =	ssyncset.done $0x0  }
0xa6: {  	[sflag:s22] =	ssyncadd.s32 s5;
	_ =	sdelay $0x1  }
0xa7: {  	s23 =	simm.s32 $0x1B8B  }
0xa8: {  	_ =	swait.ge [sflag:s23], $0x1  }
0xa9: {  	[sflag:s23] =	ssyncset.done $0x0  }
0xaa: {  	s25 =	simm.s32 $0x1B8E;
	s24 =	sld [smem:$0x3FFE];
	[sflag:s23] =	ssyncadd.s32 $0xFFFFFFFF  }
0xab: {  	s26 =	simm.s32 $execute0_lowered;
	[smem:$0x3FD2] =	sst s25  }
0xac: {  	s6 =	sshll.u32 s26, $0x1;
	_ =	strace $0x80000046;
	[dreg:$0x1] =	wrdreg $0xFFFFFFFF  }
0xad: {  	s28 =	simm.s32 $_size_execute0_lowered;
	s4 =	sadd.s32 s4, s6;
	[dreg:$0x0] =	wrdreg $0x0  }
0xae: {  	s6 =	sshll.u32 s28, $0x1;
	[dreg:$0x2] =	wrdreg s4  }
0xaf: {  	[dreg:$0x3] =	wrdreg s6  }
0xb0: {  	[dreg:$0x4] =	wrdreg $0xC0  }
0xb1: {  	_ =	task [dreg:s8], $0x5FFFF  }
0xb2: {  	[dreg:$0x1] =	wrdreg $0xFFFFFFFF  }
0xb3: {  	[dreg:$0x0] =	wrdreg $0x60  }
0xb4: {  	[dreg:$0x2] =	wrdreg s16  }
0xb5: {  	[dreg:$0x3] =	wrdreg s24  }
0xb6: {  	[dreg:$0x4] =	wrdreg s17  }
0xb7: {  	[dreg:$0x5] =	wrdreg $0x81000  }
0xb8: {  	[dreg:$0x6] =	wrdreg $0x9  }
0xb9: {  	_ =	task.clear_ibuf [dreg:s8], $0x7FFFF;
	_ =	strace $0x90000046  }
0xba: {  	s29 =	simm.s32 $0x9;
	_ =	strace $0x80000048  }
0xbb: {  	_ =	swait.ge [sflag:s29], $0x1  }
0xbc: {  	[sflag:s29] =	ssyncadd.s32 $0xFFFFFFFF  }
0xbd: {  	_ =	strace $0x90000048  }
0xbe: {  	_ =	sfence  }
0xbf: {  	s30 =	sld [smem:$0x0];
	_ =	sdelay $0x2  }
0xc0: {  	s31 =	sshll.u32 s1, $0xD;
	s1 =	sshrl.u32 s1, $0x2  }
0xc1: {  	s3 =	sand.u32 $0x4000, s31;
	s1 =	sadd.s32 s1, s30  }
0xc2: {  	s0 =	sor.u32 s3, s0;
	s1 =	sshll.u32 s1, $0x11  }
0xc3: {  	s0 =	sor.u32 s1, s0  }
0xc4: {  	s0 =	sadd.s32 $0x8F2B, s0  }
0xc5: {  	[sflag:s0] =	ssyncadd.remote.s32 $0x1  }
0xc6: {  	_ =	sfence.sel $0xFFFF  }
0xc7: {  	[dreg:$0x0] =	wrdreg $0xFFFFFFFF;
	(pc) =	sbr.abs _section_cstart, $3  }
0xc8: {  	[dreg:$0x1] =	wrdreg $0xFFFFFFFF  }
0xc9: {  	_ =	task.clear_ibuf [dreg:s8], $0x2FFFF;
	_ =	strace $0x9FFFFFFF  }
0xca: {  	(tm) =	ssettm $0x7FFFFFFF  }
0xcb: {  	_ =	shalt  }
tec
execute0_lowered:
.L_overlay_start_1:
0x0: {  	(tag) =	ssettag $0x1  }
0x1: {  	s0 =	rddreg [dreg:$0x0]  }
0x2: {  	s1 =	rddreg [dreg:$0x1]  }
0x3: {  	s2 =	rddreg [dreg:$0x3]  }
0x4: {  	s4 =	simm.s32 $0x0;
	s22 =	stileid.u32;
	s3 =	srdreg.scid  }
0x5: {  	[smem:$0x7FF] =	sst s4;
	s7 =	sadd.s32 $0x7800, s1;
	s6 =	smul.u32 $0x13C0, s22  }
0x6: {  	s3 =	sand.u32 $0x1, s3;
	s5 =	sadd.s32 $0x7E00, s1;
	s9 =	smul.u32 $0x280, s22  }
0x7: {  	_ =	strace $0x80000047;
	s8 =	ssub.s32 $0x2, s3;
	p0 =	seq.s32 s3, $0x1  }
0x8: {  	s10 =	sadd.s32 s6, s1;
	s6 =	sadd.s32 $0x7D800, s1;
	s11 =	sshrl.u32 s8, $0x1  }
0x9: {  	s12 =	sadd.s32 $0x80, s9;
	s24 =	sshrl.u32 s9, $0x3;
	s16 =	sadd.s32 $0x180, s9  }
0xa: {  	s8 =	ssub.s32 s8, s11;
	s11 =	smul.u32 $0x50000, s22;
	s14 =	sadd.s32 s0, s24  }
0xb: {  	s13 =	sshrl.u32 s12, $0x3;
	s26 =	sshrl.u32 s16, $0x3;
	[dreg:$0x5] =	wrdreg s14  }
0xc: {  	s25 =	sadd.s32 s0, s13;
	s14 =	sadd.s32 $0x100, s9;
	s9 =	sadd.s32 $0x200, s9  }
0xd: {  	s19 =	sadd.s32 s0, s26;
	s20 =	sadd.s32 s7, s13;
	[dreg:$0x6] =	wrdreg s25  }
0xe: {  	s23 =	sadd.s32 s7, s26;
	s26 =	sadd.s32 $0xD0000, s1;
	[dreg:$0x8] =	wrdreg s19  }
0xf: {  	s13 =	sshll.u32 s22, $0x6;
	s22 =	smul.u32 $0x2800, s22;
	[dreg:$0xb] =	wrdreg s20  }
0x10: {  	s15 =	sshrl.u32 s14, $0x3;
	s18 =	sshrl.u32 s9, $0x3;
	[dreg:$0xd] =	wrdreg s23  }
0x11: {  	s19 =	sadd.s32 s7, s24;
	s25 =	sshrl.u32 s11, $0x2;
	[dreg:$0xf] =	wrdreg s26  }
0x12: {  	s20 =	sor.u32 $0x1C02, s13;
	s9 =	sshll.u32 s9, $0x4;
	s11 =	simm.s32 $0x100  }
0x13: {  	s13 =	simm.s32 $0x0;
	s17 =	sadd.s32 s0, s15;
	[dreg:$0xa] =	wrdreg s19  }
0x14: {  	s0 =	sadd.s32 s0, s18;
	s21 =	sadd.s32 s7, s15;
	[dreg:$0x7] =	wrdreg s17  }
0x15: {  	s24 =	sadd.s32 s7, s18;
	s7 =	sadd.s32 $0xA8000, s1;
	[dreg:$0x9] =	wrdreg s0  }
0x16: {  	s19 =	sadd.s32 s25, s2;
	s15 =	sshll.u32 s12, $0x4;
	[dreg:$0xc] =	wrdreg s21  }
0x17: {  	s18 =	sshll.u32 s16, $0x4;
	s12 =	simm.s32 $0x1;
	[dreg:$0xe] =	wrdreg s24  }
0x18: {  	s0 =	sadd.s32 $0x80000, s1;
	s1 =	sadd.s32 $0xF8000, s1;
	s21 =	smax.u32 s8, $0x1  }
0x19: {  	s17 =	sshll.u32 s14, $0x4;
	s29 =	sadd.s32 s7, s15;
	s31 =	sadd.s32 s7, s18  }
.Ltmp0:
0x1a: {  	s3 =	sadd.s32 s7, s22;
	s8 =	simm.s32 $0x2;
	(pc) =	sbr.rel .LBB2_1-.Ltmp0, $4  }
0x1b: {  	[dreg:$0x10] =	wrdreg s1;
	s23 =	sadd.s32 s0, s22;
	s24 =	sadd.s32 s0, s15  }
0x1c: {  	s25 =	sadd.s32 s0, s17;
	s26 =	sadd.s32 s0, s18;
	s28 =	sadd.s32 s0, s9  }
0x1d: {  	s30 =	sadd.s32 s7, s17;
	s0 =	sadd.s32 s7, s9;
	s1 =	sadd.s32 $0x56000, s10  }
0x1e: {  	s7 =	sadd.s32 $0x69C00, s10;
	s9 =	simm.s32 $0x4100;
	s10 =	simm.s32 $0x80  }
.LBB2_7:
0x1f: {  	s15 =	sadd.s32 s15, s7;
	[sflag:s8] =	ssyncadd.s32 $0xFFFFC000  }
0x20: {  	[tilespmem:s10], [sflag:$0x2] =	stream.linear.gather [hbm4b:s15+s4], $0x80, $0x38;
	[tilespmem:$0x1C100] =	vst v63  }
0x21: {  	_ =	swait.ge [sflag:s8], $0x80  }
0x22: {  	[sflag:s8] =	ssyncset.done $0x0  }
0x23: {  	[sflag:s8] =	ssyncadd.s32 $0xFFFFFF80  }
0x24: {  	[spmem:s2] =	stream.indirect.scatter.add.f32 [tilespmem:s9], [sflag:$0x2], $0x80, s10, s10, $0xb8;
	[tilespmem:$0x1C100] =	vst v63  }
0x25: {  	_ =	swait.ge [sflag:s8], $0x4000  }
0x26: {  	[sflag:s8] =	ssyncset.done $0x0  }
0x27: {  	s15 =	rddreg [dreg:$0x10];
	[sflag:s8] =	ssyncadd.s32 $0xFFFFC000  }
.LBB2_8:
0x28: {  	s13 =	sadd.s32 $0x1, s13  }
0x29: {  	p1 =	sne.s32 s13, s21  }
.Ltmp1:
0x2a: {  	s15 =	sadd.s32 s15, s22;
	[bflag:$0x0] =	sbarrier.arrive $0xFFFF;
	(pc) =	sbr.rel @!p1 .LBB2_9-.Ltmp1, $4  }
0x2b: {  	[hbm:s15], [sflag:s20] =	dma.local [spmem:s14], $0x2800  }
0x2c: {  	_ =	swait.ge [sflag:s8], $0x2800  }
0x2d: {  	[sflag:s8] =	ssyncset.done $0x0  }
0x2e: {  	[sflag:s8] =	ssyncadd.s32 $0xFFFFD800  }
.LBB2_1:
0x2f: {  	s14 =	sshrl.u32 s19, $0x3  }
0x30: {  	[spmem:s14], [sflag:s20] =	dma.local [hbm:s6], $0x2800  }
0x31: {  	_ =	swait.ge [sflag:s8], $0x2800  }
0x32: {  	[sflag:s8] =	ssyncset.done $0x0  }
0x33: {  	[sflag:s8] =	ssyncadd.s32 $0xFFFFD800  }
0x34: {  	s15 =	rddreg [dreg:$0x2]  }
0x35: {  	[tilespmem:s9], [sflag:$0x2] =	stream.linear.gather [hbm4b:s15+s4], $0x4000, $0x38;
	[tilespmem:$0x1C100] =	vst v63  }
.Ltmp2:
0x36: {  	_ =	swait.ge [sflag:s8], $0x4000;
	(pc) =	sbr.rel @!p0 .LBB2_2-.Ltmp2, $3  }
0x37: {  	[sflag:s8] =	ssyncset.done $0x0  }
0x38: {  	[sflag:s8] =	ssyncadd.s32 $0xFFFFC000  }
0x39: {  	[bflag:$0x0] =	sbarrier.arrive $0xFFFF;
	_ =	sdelay $0x1  }
0x3a: {  	s15 =	rddreg [dreg:$0xa]  }
0x3b: {  	[tilespmem:s4], [sflag:$0x2] =	stream.linear.gather [hbm4b:s15+s4], $0x80, $0x38;
	[tilespmem:$0x1C100] =	vst v63  }
0x3c: {  	_ =	swait.ge [sflag:s8], $0x80  }
0x3d: {  	[sflag:s8] =	ssyncset.done $0x0  }
0x3e: {  	[sflag:s8] =	ssyncadd.s32 $0xFFFFFF80  }
0x3f: {  	[tilespmem:s11], [sflag:$0x1] =	stream.indirect.gather [hbm4b:s5+s10], $0x80, s4, s10, $0xb8;
	[tilespmem:$0x1C100] =	vst v63  }
0x40: {  	_ =	swait.ge [sflag:s12], $0x4000  }
0x41: {  	[sflag:s12] =	ssyncset.done $0x0  }
0x42: {  	[sflag:s12] =	ssyncadd.s32 $0xFFFFC000  }
0x43: {  	[hbm4b:s3+s4] =	stream.linear.scatter [tilespmem:s11], [sflag:$0x2], $0x4000, $0x38;
	[tilespmem:$0x1C100] =	vst v63  }
0x44: {  	_ =	swait.ge [sflag:s8], $0x4000  }
0x45: {  	[sflag:s8] =	ssyncset.done $0x0  }
0x46: {  	s17 =	rddreg [dreg:$0xb];
	[sflag:s8] =	ssyncadd.s32 $0xFFFFC000  }
0x47: {  	[tilespmem:s4], [sflag:$0x2] =	stream.linear.gather [hbm4b:s17+s4], $0x80, $0x38;
	[tilespmem:$0x1C100] =	vst v63  }
0x48: {  	_ =	swait.ge [sflag:s8], $0x80  }
0x49: {  	[sflag:s8] =	ssyncset.done $0x0  }
0x4a: {  	[sflag:s8] =	ssyncadd.s32 $0xFFFFFF80  }
0x4b: {  	[tilespmem:s11], [sflag:$0x1] =	stream.indirect.gather [hbm4b:s5+s10], $0x80, s4, s10, $0xb8;
	[tilespmem:$0x1C100] =	vst v63  }
0x4c: {  	_ =	swait.ge [sflag:s12], $0x4000  }
0x4d: {  	[sflag:s12] =	ssyncset.done $0x0  }
0x4e: {  	[sflag:s12] =	ssyncadd.s32 $0xFFFFC000  }
0x4f: {  	[hbm4b:s29+s4] =	stream.linear.scatter [tilespmem:s11], [sflag:$0x2], $0x4000, $0x38;
	[tilespmem:$0x1C100] =	vst v63  }
0x50: {  	_ =	swait.ge [sflag:s8], $0x4000  }
0x51: {  	[sflag:s8] =	ssyncset.done $0x0  }
0x52: {  	s18 =	rddreg [dreg:$0xc];
	[sflag:s8] =	ssyncadd.s32 $0xFFFFC000  }
0x53: {  	[tilespmem:s4], [sflag:$0x2] =	stream.linear.gather [hbm4b:s18+s4], $0x80, $0x38;
	[tilespmem:$0x1C100] =	vst v63  }
0x54: {  	_ =	swait.ge [sflag:s8], $0x80  }
0x55: {  	[sflag:s8] =	ssyncset.done $0x0  }
0x56: {  	[sflag:s8] =	ssyncadd.s32 $0xFFFFFF80  }
0x57: {  	[tilespmem:s11], [sflag:$0x1] =	stream.indirect.gather [hbm4b:s5+s10], $0x80, s4, s10, $0xb8;
	[tilespmem:$0x1C100] =	vst v63  }
0x58: {  	_ =	swait.ge [sflag:s12], $0x4000  }
0x59: {  	[sflag:s12] =	ssyncset.done $0x0  }
0x5a: {  	[sflag:s12] =	ssyncadd.s32 $0xFFFFC000  }
0x5b: {  	[hbm4b:s30+s4] =	stream.linear.scatter [tilespmem:s11], [sflag:$0x2], $0x4000, $0x38;
	[tilespmem:$0x1C100] =	vst v63  }
0x5c: {  	_ =	swait.ge [sflag:s8], $0x4000  }
0x5d: {  	[sflag:s8] =	ssyncset.done $0x0  }
0x5e: {  	s16 =	rddreg [dreg:$0xd];
	[sflag:s8] =	ssyncadd.s32 $0xFFFFC000  }
0x5f: {  	[tilespmem:s4], [sflag:$0x2] =	stream.linear.gather [hbm4b:s16+s4], $0x80, $0x38;
	[tilespmem:$0x1C100] =	vst v63  }
0x60: {  	_ =	swait.ge [sflag:s8], $0x80  }
0x61: {  	[sflag:s8] =	ssyncset.done $0x0  }
0x62: {  	[sflag:s8] =	ssyncadd.s32 $0xFFFFFF80  }
0x63: {  	[tilespmem:s11], [sflag:$0x1] =	stream.indirect.gather [hbm4b:s5+s10], $0x80, s4, s10, $0xb8;
	[tilespmem:$0x1C100] =	vst v63  }
0x64: {  	_ =	swait.ge [sflag:s12], $0x4000  }
0x65: {  	[sflag:s12] =	ssyncset.done $0x0  }
0x66: {  	[sflag:s12] =	ssyncadd.s32 $0xFFFFC000  }
0x67: {  	[hbm4b:s31+s4] =	stream.linear.scatter [tilespmem:s11], [sflag:$0x2], $0x4000, $0x38;
	[tilespmem:$0x1C100] =	vst v63  }
0x68: {  	_ =	swait.ge [sflag:s8], $0x4000  }
0x69: {  	[sflag:s8] =	ssyncset.done $0x0  }
0x6a: {  	s17 =	rddreg [dreg:$0xe];
	[sflag:s8] =	ssyncadd.s32 $0xFFFFC000  }
0x6b: {  	[tilespmem:s4], [sflag:$0x2] =	stream.linear.gather [hbm4b:s17+s4], $0x80, $0x38;
	[tilespmem:$0x1C100] =	vst v63  }
0x6c: {  	_ =	swait.ge [sflag:s8], $0x80  }
0x6d: {  	[sflag:s8] =	ssyncset.done $0x0  }
0x6e: {  	[sflag:s8] =	ssyncadd.s32 $0xFFFFFF80  }
0x6f: {  	[tilespmem:s11], [sflag:$0x1] =	stream.indirect.gather [hbm4b:s5+s10], $0x80, s4, s10, $0xb8;
	[tilespmem:$0x1C100] =	vst v63  }
0x70: {  	_ =	swait.ge [sflag:s12], $0x4000  }
0x71: {  	[sflag:s12] =	ssyncset.done $0x0  }
0x72: {  	[sflag:s12] =	ssyncadd.s32 $0xFFFFC000  }
0x73: {  	[hbm4b:s0+s4] =	stream.linear.scatter [tilespmem:s11], [sflag:$0x2], $0x4000, $0x38;
	[tilespmem:$0x1C100] =	vst v63  }
0x74: {  	_ =	swait.ge [sflag:s8], $0x4000  }
0x75: {  	[sflag:s8] =	ssyncset.done $0x0  }
0x76: {  	s18 =	sadd.s32 $0x10, s7;
	[sflag:s8] =	ssyncadd.s32 $0xFFFFC000  }
0x77: {  	[tilespmem:s10], [sflag:$0x2] =	stream.linear.gather [hbm4b:s18+s4], $0x80, $0x38;
	[tilespmem:$0x1C100] =	vst v63  }
0x78: {  	_ =	swait.ge [sflag:s8], $0x80  }
0x79: {  	[sflag:s8] =	ssyncset.done $0x0  }
0x7a: {  	[sflag:s8] =	ssyncadd.s32 $0xFFFFFF80  }
0x7b: {  	[spmem:s2] =	stream.indirect.scatter.add.f32 [tilespmem:s9], [sflag:$0x2], $0x80, s10, s10, $0xb8;
	[tilespmem:$0x1C100] =	vst v63  }
0x7c: {  	_ =	swait.ge [sflag:s8], $0x4000  }
0x7d: {  	s15 =	simm.s32 $0x30;
	s16 =	simm.s32 $0x50;
	[sflag:s8] =	ssyncset.done $0x0  }
.LBB2_6:
0x7e: {  	s17 =	sadd.s32 s15, s7  }
0x7f: {  	[sflag:s8] =	ssyncadd.s32 $0xFFFFC000;
	s15 =	smov.u32 s16;
	s18 =	sadd.s32 $0x20, s16  }
0x80: {  	[tilespmem:s10], [sflag:$0x2] =	stream.linear.gather [hbm4b:s17+s4], $0x80, $0x38;
	[tilespmem:$0x1C100] =	vst v63  }
0x81: {  	p1 =	sne.s32 s16, $0x13B0;
	_ =	swait.ge [sflag:s8], $0x80  }
.Ltmp3:
0x82: {  	[sflag:s8] =	ssyncset.done $0x0;
	(pc) =	sbr.rel @p1 .LBB2_6-.Ltmp3, $4  }
0x83: {  	[sflag:s8] =	ssyncadd.s32 $0xFFFFFF80  }
0x84: {  	[spmem:s2] =	stream.indirect.scatter.add.f32 [tilespmem:s9], [sflag:$0x2], $0x80, s10, s10, $0xb8;
	[tilespmem:$0x1C100] =	vst v63  }
0x85: {  	_ =	swait.ge [sflag:s8], $0x4000  }
0x86: {  	s16 =	smov.u32 s18;
	[sflag:s8] =	ssyncset.done $0x0  }
.Ltmp4:
0x87: {  	_ = 	snop;
	(pc) =	sbr.rel .LBB2_7-.Ltmp4, $1  }
0x88: {  	_ =	sdelay $0x3  }
.LBB2_2:
0x89: {  	s15 =	rddreg [dreg:$0x5]  }
0x8a: {  	[tilespmem:s4], [sflag:$0x2] =	stream.linear.gather [hbm4b:s15+s4], $0x80, $0x38;
	[tilespmem:$0x1C100] =	vst v63  }
0x8b: {  	_ =	swait.ge [sflag:s8], $0x80  }
0x8c: {  	[sflag:s8] =	ssyncset.done $0x0  }
0x8d: {  	[sflag:s8] =	ssyncadd.s32 $0xFFFFFF80  }
0x8e: {  	[tilespmem:s11], [sflag:$0x1] =	stream.indirect.gather [hbm4b:s5+s10], $0x80, s4, s10, $0xb8;
	[tilespmem:$0x1C100] =	vst v63  }
0x8f: {  	_ =	swait.ge [sflag:s12], $0x4000  }
0x90: {  	[sflag:s12] =	ssyncset.done $0x0  }
0x91: {  	[sflag:s12] =	ssyncadd.s32 $0xFFFFC000  }
0x92: {  	[hbm4b:s23+s4] =	stream.linear.scatter [tilespmem:s11], [sflag:$0x2], $0x4000, $0x38;
	[tilespmem:$0x1C100] =	vst v63  }
0x93: {  	_ =	swait.ge [sflag:s8], $0x4000  }
0x94: {  	[sflag:s8] =	ssyncset.done $0x0  }
0x95: {  	s17 =	rddreg [dreg:$0x6];
	[sflag:s8] =	ssyncadd.s32 $0xFFFFC000  }
0x96: {  	[tilespmem:s4], [sflag:$0x2] =	stream.linear.gather [hbm4b:s17+s4], $0x80, $0x38;
	[tilespmem:$0x1C100] =	vst v63  }
0x97: {  	_ =	swait.ge [sflag:s8], $0x80  }
0x98: {  	[sflag:s8] =	ssyncset.done $0x0  }
0x99: {  	[sflag:s8] =	ssyncadd.s32 $0xFFFFFF80  }
0x9a: {  	[tilespmem:s11], [sflag:$0x1] =	stream.indirect.gather [hbm4b:s5+s10], $0x80, s4, s10, $0xb8;
	[tilespmem:$0x1C100] =	vst v63  }
0x9b: {  	_ =	swait.ge [sflag:s12], $0x4000  }
0x9c: {  	[sflag:s12] =	ssyncset.done $0x0  }
0x9d: {  	[sflag:s12] =	ssyncadd.s32 $0xFFFFC000  }
0x9e: {  	[hbm4b:s24+s4] =	stream.linear.scatter [tilespmem:s11], [sflag:$0x2], $0x4000, $0x38;
	[tilespmem:$0x1C100] =	vst v63  }
0x9f: {  	_ =	swait.ge [sflag:s8], $0x4000  }
0xa0: {  	[sflag:s8] =	ssyncset.done $0x0  }
0xa1: {  	s18 =	rddreg [dreg:$0x7];
	[sflag:s8] =	ssyncadd.s32 $0xFFFFC000  }
0xa2: {  	[tilespmem:s4], [sflag:$0x2] =	stream.linear.gather [hbm4b:s18+s4], $0x80, $0x38;
	[tilespmem:$0x1C100] =	vst v63  }
0xa3: {  	_ =	swait.ge [sflag:s8], $0x80  }
0xa4: {  	[sflag:s8] =	ssyncset.done $0x0  }
0xa5: {  	[sflag:s8] =	ssyncadd.s32 $0xFFFFFF80  }
0xa6: {  	[tilespmem:s11], [sflag:$0x1] =	stream.indirect.gather [hbm4b:s5+s10], $0x80, s4, s10, $0xb8;
	[tilespmem:$0x1C100] =	vst v63  }
0xa7: {  	_ =	swait.ge [sflag:s12], $0x4000  }
0xa8: {  	[sflag:s12] =	ssyncset.done $0x0  }
0xa9: {  	[sflag:s12] =	ssyncadd.s32 $0xFFFFC000  }
0xaa: {  	[hbm4b:s25+s4] =	stream.linear.scatter [tilespmem:s11], [sflag:$0x2], $0x4000, $0x38;
	[tilespmem:$0x1C100] =	vst v63  }
0xab: {  	_ =	swait.ge [sflag:s8], $0x4000  }
0xac: {  	[sflag:s8] =	ssyncset.done $0x0  }
0xad: {  	s16 =	rddreg [dreg:$0x8];
	[sflag:s8] =	ssyncadd.s32 $0xFFFFC000  }
0xae: {  	[tilespmem:s4], [sflag:$0x2] =	stream.linear.gather [hbm4b:s16+s4], $0x80, $0x38;
	[tilespmem:$0x1C100] =	vst v63  }
0xaf: {  	_ =	swait.ge [sflag:s8], $0x80  }
0xb0: {  	[sflag:s8] =	ssyncset.done $0x0  }
0xb1: {  	[sflag:s8] =	ssyncadd.s32 $0xFFFFFF80  }
0xb2: {  	[tilespmem:s11], [sflag:$0x1] =	stream.indirect.gather [hbm4b:s5+s10], $0x80, s4, s10, $0xb8;
	[tilespmem:$0x1C100] =	vst v63  }
0xb3: {  	_ =	swait.ge [sflag:s12], $0x4000  }
0xb4: {  	[sflag:s12] =	ssyncset.done $0x0  }
0xb5: {  	[sflag:s12] =	ssyncadd.s32 $0xFFFFC000  }
0xb6: {  	[hbm4b:s26+s4] =	stream.linear.scatter [tilespmem:s11], [sflag:$0x2], $0x4000, $0x38;
	[tilespmem:$0x1C100] =	vst v63  }
0xb7: {  	_ =	swait.ge [sflag:s8], $0x4000  }
0xb8: {  	[sflag:s8] =	ssyncset.done $0x0  }
0xb9: {  	s17 =	rddreg [dreg:$0x9];
	[sflag:s8] =	ssyncadd.s32 $0xFFFFC000  }
0xba: {  	[tilespmem:s4], [sflag:$0x2] =	stream.linear.gather [hbm4b:s17+s4], $0x80, $0x38;
	[tilespmem:$0x1C100] =	vst v63  }
0xbb: {  	_ =	swait.ge [sflag:s8], $0x80  }
0xbc: {  	[sflag:s8] =	ssyncset.done $0x0  }
0xbd: {  	[sflag:s8] =	ssyncadd.s32 $0xFFFFFF80  }
0xbe: {  	[tilespmem:s11], [sflag:$0x1] =	stream.indirect.gather [hbm4b:s5+s10], $0x80, s4, s10, $0xb8;
	[tilespmem:$0x1C100] =	vst v63  }
0xbf: {  	_ =	swait.ge [sflag:s12], $0x4000  }
0xc0: {  	[sflag:s12] =	ssyncset.done $0x0  }
0xc1: {  	[sflag:s12] =	ssyncadd.s32 $0xFFFFC000  }
0xc2: {  	[hbm4b:s28+s4] =	stream.linear.scatter [tilespmem:s11], [sflag:$0x2], $0x4000, $0x38;
	[tilespmem:$0x1C100] =	vst v63  }
0xc3: {  	_ =	swait.ge [sflag:s8], $0x4000  }
0xc4: {  	[sflag:s8] =	ssyncset.done $0x0  }
0xc5: {  	s18 =	sadd.s32 $0x10, s1;
	[sflag:s8] =	ssyncadd.s32 $0xFFFFC000  }
0xc6: {  	[tilespmem:s10], [sflag:$0x2] =	stream.linear.gather [hbm4b:s18+s4], $0x80, $0x38;
	[tilespmem:$0x1C100] =	vst v63  }
0xc7: {  	_ =	swait.ge [sflag:s8], $0x80  }
0xc8: {  	[sflag:s8] =	ssyncset.done $0x0  }
0xc9: {  	[sflag:s8] =	ssyncadd.s32 $0xFFFFFF80  }
0xca: {  	[spmem:s2] =	stream.indirect.scatter.add.f32 [tilespmem:s9], [sflag:$0x2], $0x80, s10, s10, $0xb8;
	[tilespmem:$0x1C100] =	vst v63  }
0xcb: {  	_ =	swait.ge [sflag:s8], $0x4000  }
0xcc: {  	s15 =	simm.s32 $0x30;
	s16 =	simm.s32 $0x50;
	[sflag:s8] =	ssyncset.done $0x0  }
.LBB2_3:
0xcd: {  	s17 =	sadd.s32 s15, s1  }
0xce: {  	[sflag:s8] =	ssyncadd.s32 $0xFFFFC000;
	s15 =	smov.u32 s16;
	s18 =	sadd.s32 $0x20, s16  }
0xcf: {  	[tilespmem:s10], [sflag:$0x2] =	stream.linear.gather [hbm4b:s17+s4], $0x80, $0x38;
	[tilespmem:$0x1C100] =	vst v63  }
0xd0: {  	p1 =	seq.s32 s16, $0x13B0;
	_ =	swait.ge [sflag:s8], $0x80  }
.Ltmp5:
0xd1: {  	[sflag:s8] =	ssyncset.done $0x0;
	(pc) =	sbr.rel @!p1 .LBB2_3-.Ltmp5, $4  }
0xd2: {  	[sflag:s8] =	ssyncadd.s32 $0xFFFFFF80  }
0xd3: {  	[spmem:s2] =	stream.indirect.scatter.add.f32 [tilespmem:s9], [sflag:$0x2], $0x80, s10, s10, $0xb8;
	[tilespmem:$0x1C100] =	vst v63  }
0xd4: {  	_ =	swait.ge [sflag:s8], $0x4000  }
0xd5: {  	s16 =	smov.u32 s18;
	[sflag:s8] =	ssyncset.done $0x0  }
0xd6: {  	s15 =	sadd.s32 s15, s1;
	[sflag:s8] =	ssyncadd.s32 $0xFFFFC000  }
0xd7: {  	[tilespmem:s10], [sflag:$0x2] =	stream.linear.gather [hbm4b:s15+s4], $0x80, $0x38;
	[tilespmem:$0x1C100] =	vst v63  }
0xd8: {  	_ =	swait.ge [sflag:s8], $0x80  }
0xd9: {  	[sflag:s8] =	ssyncset.done $0x0  }
.Ltmp6:
0xda: {  	[sflag:s8] =	ssyncadd.s32 $0xFFFFFF80;
	(pc) =	sbr.rel .LBB2_8-.Ltmp6, $4  }
0xdb: {  	[spmem:s2] =	stream.indirect.scatter.add.f32 [tilespmem:s9], [sflag:$0x2], $0x80, s10, s10, $0xb8;
	[tilespmem:$0x1C100] =	vst v63  }
0xdc: {  	_ =	swait.ge [sflag:s8], $0x4000  }
0xdd: {  	[sflag:s8] =	ssyncset.done $0x0  }
0xde: {  	s15 =	rddreg [dreg:$0xf];
	[sflag:s8] =	ssyncadd.s32 $0xFFFFC000  }
.LBB2_9:
0xdf: {  	_ =	sfence.sel $0x180000  }
0xe0: {  	[bflag:$0x0] =	sbarrier.arrive $0xFFFF  }
0xe1: {  	_ =	strace $0x90000047  }
0xe2: {  	s0 =	stileid.u32;
	[bflag:$0x2] =	sbarrier.arrive $0xFFFF  }
0xe3: {  	p0 =	sne.s32 s0, $0x0;
	s0 =	rddreg [dreg:$0x4]  }
0xe4: {  	s0 =	sadd.s32 @!p0 $0x100000, s0  }
0xe5: {  	[sflag:s0] =	ssyncadd.tile.s32 @!p0 $0x1;
	_ =	shalt  }
.Lfunc_end2:
_tile_overlayer_lowered:
.L_overlay_start_2:
0xe6: {  	(tag) =	ssettag $0x2  }
0xe7: {  	s0 =	rddreg [dreg:$0x0];
	s2 =	stileid.u32  }
0xe8: {  	s1 =	rddreg [dreg:$0x1];
	p0 =	sne.s32 s2, $0x0  }
0xe9: {  	s3 =	rddreg [dreg:$0x2];
	[bflag:$0x3] =	sbarrier.arrive $0xFFFF;
	s2 =	simm.s32 @!p0 $0x1C02  }
0xea: {  	[timem:s3], [sflag:s2] =	dma.local @!p0 [hbm:s0], s1  }
0xeb: {  	s0 =	simm.s32 @!p0 $0x2  }
0xec: {  	_ =	swait.ge @!p0 [sflag:s0], s1  }
0xed: {  	s1 =	ssub.s32 @!p0 $0x0, s1;
	[sflag:s0] =	ssyncset.done @!p0 $0x0  }
0xee: {  	[sflag:s0] =	ssyncadd.s32 @!p0 s1  }
0xef: {  	[bflag:$0x3] =	sbarrier.arrive $0xFFFF  }
0xf0: {  	_ =	shalt  }

</sc_bundles>
